<compile_context>
chip_gen: v7x
topology: tpu7x:2x2x1
jax: 0.10.2.dev20260603
libtpu: 0.0.44.dev20260713+nightly
codegen_flags: <defaults>
</compile_context>

<pallas_src>
import functools

import jax
import jax.numpy as jnp
from jax import lax
from jax.experimental import pallas as pl
from jax.experimental.pallas import tpu as pltpu
from jax.experimental.pallas import tpu_sc as plsc

D = 128
NC, NS = 2, 16
NW = NC * NS
NBUF = 8
LOOKAHEAD = 3
SPLIT = 2


@functools.lru_cache(maxsize=None)
def _make_gather(batch, seq):
  per_w = batch // NW
  rows = per_w // SPLIT
  n_chunks = seq * SPLIT
  n_groups = n_chunks // NBUF
  assert batch == NW * per_w and n_chunks % NBUF == 0 and rows % 8 == 0

  mesh = plsc.VectorSubcoreMesh(
      core_axis_name="c", subcore_axis_name="s",
      num_cores=NC, num_subcores=NS)

  @functools.partial(
      pl.kernel,
      out_type=jax.ShapeDtypeStruct((seq, batch, D), jnp.float32),
      mesh=mesh,
      scratch_types=[
          pltpu.VMEM((seq, per_w), jnp.int32),
          pltpu.VMEM((NBUF, rows, D), jnp.float32),
          [pltpu.SemaphoreType.DMA] * NBUF,
          [pltpu.SemaphoreType.DMA] * NBUF,
      ],
  )
  def gather_kernel(idx_hbm, table_hbm, out_hbm, idx_v, rows_v, gsems, psems):
    wid = lax.axis_index("s") * NC + lax.axis_index("c")
    col0 = wid * per_w

    pltpu.sync_copy(idx_hbm.at[:, pl.ds(col0, per_w)], idx_v)

    def fire_gather(j, b):
      s, h = j // SPLIT, j % SPLIT
      pltpu.async_copy(
          table_hbm.at[idx_v.at[s, pl.ds(h * rows, rows)]], rows_v.at[b],
          gsems[b])

    def wait_gather(b):
      pltpu.make_async_copy(
          table_hbm.at[idx_v.at[0, pl.ds(0, rows)]], rows_v.at[b],
          gsems[b]).wait()

    def fire_put(j, b):
      s, h = j // SPLIT, j % SPLIT
      pltpu.async_copy(
          rows_v.at[b], out_hbm.at[s, pl.ds(col0 + h * rows, rows)], psems[b])

    def wait_put(b):
      pltpu.make_async_copy(
          rows_v.at[b], out_hbm.at[0, pl.ds(col0, rows)], psems[b]).wait()

    for b in range(NBUF):
      fire_gather(b, b)
      if b >= LOOKAHEAD:
        jp = b - LOOKAHEAD
        wait_gather(jp % NBUF)
        fire_put(jp, jp % NBUF)

    @pl.loop(1, n_groups)
    def _steady(g):
      j0 = g * NBUF
      for b in range(NBUF):
        j = j0 + b
        wait_put(b)
        fire_gather(j, b)
        bp = (b - LOOKAHEAD) % NBUF
        wait_gather(bp)
        fire_put(j - LOOKAHEAD, bp)

    for k in range(LOOKAHEAD):
      j = n_chunks - LOOKAHEAD + k
      b = j % NBUF
      wait_gather(b)
      fire_put(j, b)
    for b in range(NBUF):
      wait_put(b)

  return gather_kernel


def kernel(bin_ids, embedding_weight):
  batch, seq = bin_ids.shape
  idx = bin_ids.astype(jnp.int32).T
  out = _make_gather(batch, seq)(idx, embedding_weight)
  return out.transpose(1, 0, 2)

# --- scband reference (transcript-rebuilt; emitter-appended) ---
"""Pipeline reference for scband-bin-embedding-27238682591959 (READ-ONLY COPY).

The authoritative reference and input builder live on the scoring server;
editing this copy changes nothing except your own understanding.
"""

import jax, jax.numpy as jnp
import numpy as np

MAX_LEN = 100000
EMBED_DIM = 128
BATCH = 4096
SEQ = 100

def setup_inputs(seed: int = 0) -> dict:
    key = jax.random.key(seed)
    k_idx, k_tab = jax.random.split(key)
    bin_ids = jax.random.randint(k_idx, (BATCH, SEQ), 0, MAX_LEN, dtype=jnp.int64 if jax.config.jax_enable_x64 else jnp.int32)
    # mask_idx is None, so table has exactly MAX_LEN rows; init normal(0, 1) per _init_weights
    embedding_weight = jax.random.normal(k_tab, (MAX_LEN, EMBED_DIM), dtype=jnp.float32)
    return {"bin_ids": bin_ids, "embedding_weight": embedding_weight}

def reference(bin_ids, embedding_weight):
    # nn.Embedding forward: gather rows of the table by index
    return jnp.take(embedding_weight, bin_ids, axis=0)

if __name__ == "__main__":
    import jax
    _d = setup_inputs()
    print(jax.jit(kernel)(*tuple(_d.values())))

</pallas_src>

<mosaic_0001>
#map = affine_map<(d0, d1) -> (0, 0)>
#map1 = affine_map<(d0, d1) -> (0, 0, 0)>
module attributes {stable_mosaic.version = 14 : i64} {
  func.func @gather_kernel(%arg0: i32, %arg1: i32, %arg2: memref<100x4096xi32, #tpu.memory_space<hbm>>, %arg3: memref<100000x128xf32, #tpu.memory_space<hbm>>, %arg4: memref<100x4096x128xf32, #tpu.memory_space<hbm>>, %arg5: memref<100x128xi32, #tpu.memory_space<vmem>>, %arg6: memref<8x64x128xf32, #tpu.memory_space<vmem>>, %arg7: memref<!tpu.dma_semaphore, #tpu.memory_space<semaphore_mem>>, %arg8: memref<!tpu.dma_semaphore, #tpu.memory_space<semaphore_mem>>, %arg9: memref<!tpu.dma_semaphore, #tpu.memory_space<semaphore_mem>>, %arg10: memref<!tpu.dma_semaphore, #tpu.memory_space<semaphore_mem>>, %arg11: memref<!tpu.dma_semaphore, #tpu.memory_space<semaphore_mem>>, %arg12: memref<!tpu.dma_semaphore, #tpu.memory_space<semaphore_mem>>, %arg13: memref<!tpu.dma_semaphore, #tpu.memory_space<semaphore_mem>>, %arg14: memref<!tpu.dma_semaphore, #tpu.memory_space<semaphore_mem>>, %arg15: memref<!tpu.dma_semaphore, #tpu.memory_space<semaphore_mem>>, %arg16: memref<!tpu.dma_semaphore, #tpu.memory_space<semaphore_mem>>, %arg17: memref<!tpu.dma_semaphore, #tpu.memory_space<semaphore_mem>>, %arg18: memref<!tpu.dma_semaphore, #tpu.memory_space<semaphore_mem>>, %arg19: memref<!tpu.dma_semaphore, #tpu.memory_space<semaphore_mem>>, %arg20: memref<!tpu.dma_semaphore, #tpu.memory_space<semaphore_mem>>, %arg21: memref<!tpu.dma_semaphore, #tpu.memory_space<semaphore_mem>>, %arg22: memref<!tpu.dma_semaphore, #tpu.memory_space<semaphore_mem>>) attributes {dimension_semantics = [#tpu.dimension_semantics<core_parallel>, #tpu.dimension_semantics<subcore_parallel>], iteration_bounds = array<i64: 2, 16>, scalar_prefetch = 0 : i64, scratch_operands = 18 : i64, tpu.core_type = #tpu.core_type<sc_vector_subcore>, window_params = [{transform_indices = #map}, {transform_indices = #map}, {transform_indices = #map1}]} {
    %mul3A = arith.constant 2 : i32
    %mul3A_0 = arith.muli %arg1, %mul3A : i32
    %add3A = arith.addi %mul3A_0, %arg0 : i32
    %mul3A_1 = arith.constant 128 : i32
    %mul3A_2 = arith.muli %add3A, %mul3A_1 : i32
    "tpu.region"() ({
      %run_scoped3A = tpu.sem_alloc : memref<!tpu.dma_semaphore, #tpu.memory_space<semaphore_mem>>
      %dma_start3A_469 = arith.constant 0 : i32
      %dma_start3A_470 = tpu.memref_slice %arg2[%dma_start3A_469, %mul3A_2] : memref<100x4096xi32, #tpu.memory_space<hbm>> -> memref<100x128xi32, #tpu.memory_space<hbm>>
      %dma_start3A_471 = arith.constant 0 : i32
      %dma_start3A_472 = tpu.memref_slice %arg2[%dma_start3A_471, %mul3A_2] : memref<100x4096xi32, #tpu.memory_space<hbm>> -> memref<100x128xi32, #tpu.memory_space<hbm>>
      tpu.enqueue_dma source(%dma_start3A_472 : memref<100x128xi32, #tpu.memory_space<hbm>>) target(%arg5 : memref<100x128xi32, #tpu.memory_space<vmem>>) target_semaphore(%run_scoped3A : memref<!tpu.dma_semaphore, #tpu.memory_space<semaphore_mem>>)
      %dma_wait3A_473 = arith.constant 0 : i32
      %dma_wait3A_474 = tpu.memref_slice %arg2[%dma_wait3A_473, %mul3A_2] : memref<100x4096xi32, #tpu.memory_space<hbm>> -> memref<100x128xi32, #tpu.memory_space<hbm>>
      %dma_wait3A_475 = arith.constant 0 : i32
      %dma_wait3A_476 = tpu.memref_slice %arg2[%dma_wait3A_475, %mul3A_2] : memref<100x4096xi32, #tpu.memory_space<hbm>> -> memref<100x128xi32, #tpu.memory_space<hbm>>
      tpu.wait_dma2 semaphore(%run_scoped3A : memref<!tpu.dma_semaphore, #tpu.memory_space<semaphore_mem>>) src(%dma_wait3A_476 : memref<100x128xi32, #tpu.memory_space<hbm>>) dst(%arg5 : memref<100x128xi32, #tpu.memory_space<vmem>>)
      tpu.yield
    }) : () -> ()
    %dma_start3A = arith.constant 0 : i32
    %dma_start3A_3 = arith.constant 0 : i32
    %dma_start3A_4 = arith.constant 0 : i32
    %dma_start3A_5 = arith.constant 0 : i32
    %dma_start3A_6 = tpu.memref_slice %arg6[%dma_start3A_3, %dma_start3A_4, %dma_start3A_5] : memref<8x64x128xf32, #tpu.memory_space<vmem>> -> memref<1x64x128xf32, #tpu.memory_space<vmem>>
    %dma_start3A_7 = tpu.memref_squeeze %dma_start3A_6 : memref<1x64x128xf32, #tpu.memory_space<vmem>> -> memref<64x128xf32, #tpu.memory_space<vmem>>
    %dma_start3A_8 = arith.constant 0 : i32
    %dma_start3A_9 = tpu.memref_slice %arg5[%dma_start3A, %dma_start3A_8] : memref<100x128xi32, #tpu.memory_space<vmem>> -> memref<1x64xi32, #tpu.memory_space<vmem>>
    %dma_start3A_10 = tpu.memref_squeeze %dma_start3A_9 : memref<1x64xi32, #tpu.memory_space<vmem>> -> memref<64xi32, #tpu.memory_space<vmem>>
    %dma_start3A_11 = arith.constant 0 : i32
    %dma_start3A_12 = arith.constant 0 : i32
    %dma_start3A_13 = tpu.memref_slice %arg3[%dma_start3A_11, %dma_start3A_12] : memref<100000x128xf32, #tpu.memory_space<hbm>> -> memref<100000x128xf32, #tpu.memory_space<hbm>>
    tpu.enqueue_indirect_dma source(%dma_start3A_13 : memref<100000x128xf32, #tpu.memory_space<hbm>>) target(%dma_start3A_7 : memref<64x128xf32, #tpu.memory_space<vmem>>) offsets(%dma_start3A_10 : memref<64xi32, #tpu.memory_space<vmem>>) semaphore(%arg7 : memref<!tpu.dma_semaphore, #tpu.memory_space<semaphore_mem>>)
    %dma_start3A_14 = arith.constant 0 : i32
    %dma_start3A_15 = arith.constant 1 : i32
    %dma_start3A_16 = arith.constant 0 : i32
    %dma_start3A_17 = arith.constant 0 : i32
    %dma_start3A_18 = tpu.memref_slice %arg6[%dma_start3A_15, %dma_start3A_16, %dma_start3A_17] : memref<8x64x128xf32, #tpu.memory_space<vmem>> -> memref<1x64x128xf32, #tpu.memory_space<vmem>>
    %dma_start3A_19 = tpu.memref_squeeze %dma_start3A_18 : memref<1x64x128xf32, #tpu.memory_space<vmem>> -> memref<64x128xf32, #tpu.memory_space<vmem>>
    %dma_start3A_20 = arith.constant 64 : i32
    %dma_start3A_21 = tpu.memref_slice %arg5[%dma_start3A_14, %dma_start3A_20] : memref<100x128xi32, #tpu.memory_space<vmem>> -> memref<1x64xi32, #tpu.memory_space<vmem>>
    %dma_start3A_22 = tpu.memref_squeeze %dma_start3A_21 : memref<1x64xi32, #tpu.memory_space<vmem>> -> memref<64xi32, #tpu.memory_space<vmem>>
    %dma_start3A_23 = arith.constant 0 : i32
    %dma_start3A_24 = arith.constant 0 : i32
    %dma_start3A_25 = tpu.memref_slice %arg3[%dma_start3A_23, %dma_start3A_24] : memref<100000x128xf32, #tpu.memory_space<hbm>> -> memref<100000x128xf32, #tpu.memory_space<hbm>>
    tpu.enqueue_indirect_dma source(%dma_start3A_25 : memref<100000x128xf32, #tpu.memory_space<hbm>>) target(%dma_start3A_19 : memref<64x128xf32, #tpu.memory_space<vmem>>) offsets(%dma_start3A_22 : memref<64xi32, #tpu.memory_space<vmem>>) semaphore(%arg8 : memref<!tpu.dma_semaphore, #tpu.memory_space<semaphore_mem>>)
    %dma_start3A_26 = arith.constant 1 : i32
    %dma_start3A_27 = arith.constant 2 : i32
    %dma_start3A_28 = arith.constant 0 : i32
    %dma_start3A_29 = arith.constant 0 : i32
    %dma_start3A_30 = tpu.memref_slice %arg6[%dma_start3A_27, %dma_start3A_28, %dma_start3A_29] : memref<8x64x128xf32, #tpu.memory_space<vmem>> -> memref<1x64x128xf32, #tpu.memory_space<vmem>>
    %dma_start3A_31 = tpu.memref_squeeze %dma_start3A_30 : memref<1x64x128xf32, #tpu.memory_space<vmem>> -> memref<64x128xf32, #tpu.memory_space<vmem>>
    %dma_start3A_32 = arith.constant 0 : i32
    %dma_start3A_33 = tpu.memref_slice %arg5[%dma_start3A_26, %dma_start3A_32] : memref<100x128xi32, #tpu.memory_space<vmem>> -> memref<1x64xi32, #tpu.memory_space<vmem>>
    %dma_start3A_34 = tpu.memref_squeeze %dma_start3A_33 : memref<1x64xi32, #tpu.memory_space<vmem>> -> memref<64xi32, #tpu.memory_space<vmem>>
    %dma_start3A_35 = arith.constant 0 : i32
    %dma_start3A_36 = arith.constant 0 : i32
    %dma_start3A_37 = tpu.memref_slice %arg3[%dma_start3A_35, %dma_start3A_36] : memref<100000x128xf32, #tpu.memory_space<hbm>> -> memref<100000x128xf32, #tpu.memory_space<hbm>>
    tpu.enqueue_indirect_dma source(%dma_start3A_37 : memref<100000x128xf32, #tpu.memory_space<hbm>>) target(%dma_start3A_31 : memref<64x128xf32, #tpu.memory_space<vmem>>) offsets(%dma_start3A_34 : memref<64xi32, #tpu.memory_space<vmem>>) semaphore(%arg9 : memref<!tpu.dma_semaphore, #tpu.memory_space<semaphore_mem>>)
    %dma_start3A_38 = arith.constant 1 : i32
    %dma_start3A_39 = arith.constant 3 : i32
    %dma_start3A_40 = arith.constant 0 : i32
    %dma_start3A_41 = arith.constant 0 : i32
    %dma_start3A_42 = tpu.memref_slice %arg6[%dma_start3A_39, %dma_start3A_40, %dma_start3A_41] : memref<8x64x128xf32, #tpu.memory_space<vmem>> -> memref<1x64x128xf32, #tpu.memory_space<vmem>>
    %dma_start3A_43 = tpu.memref_squeeze %dma_start3A_42 : memref<1x64x128xf32, #tpu.memory_space<vmem>> -> memref<64x128xf32, #tpu.memory_space<vmem>>
    %dma_start3A_44 = arith.constant 64 : i32
    %dma_start3A_45 = tpu.memref_slice %arg5[%dma_start3A_38, %dma_start3A_44] : memref<100x128xi32, #tpu.memory_space<vmem>> -> memref<1x64xi32, #tpu.memory_space<vmem>>
    %dma_start3A_46 = tpu.memref_squeeze %dma_start3A_45 : memref<1x64xi32, #tpu.memory_space<vmem>> -> memref<64xi32, #tpu.memory_space<vmem>>
    %dma_start3A_47 = arith.constant 0 : i32
    %dma_start3A_48 = arith.constant 0 : i32
    %dma_start3A_49 = tpu.memref_slice %arg3[%dma_start3A_47, %dma_start3A_48] : memref<100000x128xf32, #tpu.memory_space<hbm>> -> memref<100000x128xf32, #tpu.memory_space<hbm>>
    tpu.enqueue_indirect_dma source(%dma_start3A_49 : memref<100000x128xf32, #tpu.memory_space<hbm>>) target(%dma_start3A_43 : memref<64x128xf32, #tpu.memory_space<vmem>>) offsets(%dma_start3A_46 : memref<64xi32, #tpu.memory_space<vmem>>) semaphore(%arg10 : memref<!tpu.dma_semaphore, #tpu.memory_space<semaphore_mem>>)
    %dma_wait3A = arith.constant 0 : i32
    %dma_wait3A_50 = arith.constant 0 : i32
    %dma_wait3A_51 = arith.constant 0 : i32
    %dma_wait3A_52 = arith.constant 0 : i32
    %dma_wait3A_53 = tpu.memref_slice %arg6[%dma_wait3A_50, %dma_wait3A_51, %dma_wait3A_52] : memref<8x64x128xf32, #tpu.memory_space<vmem>> -> memref<1x64x128xf32, #tpu.memory_space<vmem>>
    %dma_wait3A_54 = tpu.memref_squeeze %dma_wait3A_53 : memref<1x64x128xf32, #tpu.memory_space<vmem>> -> memref<64x128xf32, #tpu.memory_space<vmem>>
    %dma_wait3A_55 = arith.constant 0 : i32
    %dma_wait3A_56 = tpu.memref_slice %arg5[%dma_wait3A, %dma_wait3A_55] : memref<100x128xi32, #tpu.memory_space<vmem>> -> memref<1x64xi32, #tpu.memory_space<vmem>>
    %dma_wait3A_57 = tpu.memref_squeeze %dma_wait3A_56 : memref<1x64xi32, #tpu.memory_space<vmem>> -> memref<64xi32, #tpu.memory_space<vmem>>
    %dma_wait3A_58 = arith.constant 0 : i32
    %dma_wait3A_59 = arith.constant 0 : i32
    %dma_wait3A_60 = tpu.memref_slice %arg3[%dma_wait3A_58, %dma_wait3A_59] : memref<100000x128xf32, #tpu.memory_space<hbm>> -> memref<100000x128xf32, #tpu.memory_space<hbm>>
    tpu.wait_indirect_dma semaphore(%arg7 : memref<!tpu.dma_semaphore, #tpu.memory_space<semaphore_mem>>) src(%dma_wait3A_60 : memref<100000x128xf32, #tpu.memory_space<hbm>>) dst(%dma_wait3A_54 : memref<64x128xf32, #tpu.memory_space<vmem>>)
    %add3A_61 = arith.constant 0 : i32
    %add3A_62 = arith.addi %mul3A_2, %add3A_61 : i32
    %dma_start3A_63 = arith.constant 0 : i32
    %dma_start3A_64 = arith.constant 0 : i32
    %dma_start3A_65 = arith.constant 0 : i32
    %dma_start3A_66 = arith.constant 0 : i32
    %dma_start3A_67 = tpu.memref_slice %arg6[%dma_start3A_63, %dma_start3A_65, %dma_start3A_66] : memref<8x64x128xf32, #tpu.memory_space<vmem>> -> memref<1x64x128xf32, #tpu.memory_space<vmem>>
    %dma_start3A_68 = tpu.memref_squeeze %dma_start3A_67 : memref<1x64x128xf32, #tpu.memory_space<vmem>> -> memref<64x128xf32, #tpu.memory_space<vmem>>
    %dma_start3A_69 = arith.constant 0 : i32
    %dma_start3A_70 = tpu.memref_slice %arg4[%dma_start3A_64, %add3A_62, %dma_start3A_69] : memref<100x4096x128xf32, #tpu.memory_space<hbm>> -> memref<1x64x128xf32, #tpu.memory_space<hbm>>
    %dma_start3A_71 = tpu.memref_squeeze %dma_start3A_70 : memref<1x64x128xf32, #tpu.memory_space<hbm>> -> memref<64x128xf32, #tpu.memory_space<hbm>>
    %dma_start3A_72 = arith.constant 0 : i32
    %dma_start3A_73 = tpu.memref_slice %arg4[%dma_start3A_64, %add3A_62, %dma_start3A_72] : memref<100x4096x128xf32, #tpu.memory_space<hbm>> -> memref<1x64x128xf32, #tpu.memory_space<hbm>>
    %dma_start3A_74 = tpu.memref_squeeze %dma_start3A_73 : memref<1x64x128xf32, #tpu.memory_space<hbm>> -> memref<64x128xf32, #tpu.memory_space<hbm>>
    %dma_start3A_75 = arith.constant 0 : i32
    %dma_start3A_76 = arith.constant 0 : i32
    %dma_start3A_77 = tpu.memref_slice %arg6[%dma_start3A_63, %dma_start3A_75, %dma_start3A_76] : memref<8x64x128xf32, #tpu.memory_space<vmem>> -> memref<1x64x128xf32, #tpu.memory_space<vmem>>
    %dma_start3A_78 = tpu.memref_squeeze %dma_start3A_77 : memref<1x64x128xf32, #tpu.memory_space<vmem>> -> memref<64x128xf32, #tpu.memory_space<vmem>>
    tpu.enqueue_dma source(%dma_start3A_78 : memref<64x128xf32, #tpu.memory_space<vmem>>) target(%dma_start3A_74 : memref<64x128xf32, #tpu.memory_space<hbm>>) target_semaphore(%arg15 : memref<!tpu.dma_semaphore, #tpu.memory_space<semaphore_mem>>)
    %dma_start3A_79 = arith.constant 2 : i32
    %dma_start3A_80 = arith.constant 4 : i32
    %dma_start3A_81 = arith.constant 0 : i32
    %dma_start3A_82 = arith.constant 0 : i32
    %dma_start3A_83 = tpu.memref_slice %arg6[%dma_start3A_80, %dma_start3A_81, %dma_start3A_82] : memref<8x64x128xf32, #tpu.memory_space<vmem>> -> memref<1x64x128xf32, #tpu.memory_space<vmem>>
    %dma_start3A_84 = tpu.memref_squeeze %dma_start3A_83 : memref<1x64x128xf32, #tpu.memory_space<vmem>> -> memref<64x128xf32, #tpu.memory_space<vmem>>
    %dma_start3A_85 = arith.constant 0 : i32
    %dma_start3A_86 = tpu.memref_slice %arg5[%dma_start3A_79, %dma_start3A_85] : memref<100x128xi32, #tpu.memory_space<vmem>> -> memref<1x64xi32, #tpu.memory_space<vmem>>
    %dma_start3A_87 = tpu.memref_squeeze %dma_start3A_86 : memref<1x64xi32, #tpu.memory_space<vmem>> -> memref<64xi32, #tpu.memory_space<vmem>>
    %dma_start3A_88 = arith.constant 0 : i32
    %dma_start3A_89 = arith.constant 0 : i32
    %dma_start3A_90 = tpu.memref_slice %arg3[%dma_start3A_88, %dma_start3A_89] : memref<100000x128xf32, #tpu.memory_space<hbm>> -> memref<100000x128xf32, #tpu.memory_space<hbm>>
    tpu.enqueue_indirect_dma source(%dma_start3A_90 : memref<100000x128xf32, #tpu.memory_space<hbm>>) target(%dma_start3A_84 : memref<64x128xf32, #tpu.memory_space<vmem>>) offsets(%dma_start3A_87 : memref<64xi32, #tpu.memory_space<vmem>>) semaphore(%arg11 : memref<!tpu.dma_semaphore, #tpu.memory_space<semaphore_mem>>)
    %dma_wait3A_91 = arith.constant 0 : i32
    %dma_wait3A_92 = arith.constant 1 : i32
    %dma_wait3A_93 = arith.constant 0 : i32
    %dma_wait3A_94 = arith.constant 0 : i32
    %dma_wait3A_95 = tpu.memref_slice %arg6[%dma_wait3A_92, %dma_wait3A_93, %dma_wait3A_94] : memref<8x64x128xf32, #tpu.memory_space<vmem>> -> memref<1x64x128xf32, #tpu.memory_space<vmem>>
    %dma_wait3A_96 = tpu.memref_squeeze %dma_wait3A_95 : memref<1x64x128xf32, #tpu.memory_space<vmem>> -> memref<64x128xf32, #tpu.memory_space<vmem>>
    %dma_wait3A_97 = arith.constant 0 : i32
    %dma_wait3A_98 = tpu.memref_slice %arg5[%dma_wait3A_91, %dma_wait3A_97] : memref<100x128xi32, #tpu.memory_space<vmem>> -> memref<1x64xi32, #tpu.memory_space<vmem>>
    %dma_wait3A_99 = tpu.memref_squeeze %dma_wait3A_98 : memref<1x64xi32, #tpu.memory_space<vmem>> -> memref<64xi32, #tpu.memory_space<vmem>>
    %dma_wait3A_100 = arith.constant 0 : i32
    %dma_wait3A_101 = arith.constant 0 : i32
    %dma_wait3A_102 = tpu.memref_slice %arg3[%dma_wait3A_100, %dma_wait3A_101] : memref<100000x128xf32, #tpu.memory_space<hbm>> -> memref<100000x128xf32, #tpu.memory_space<hbm>>
    tpu.wait_indirect_dma semaphore(%arg8 : memref<!tpu.dma_semaphore, #tpu.memory_space<semaphore_mem>>) src(%dma_wait3A_102 : memref<100000x128xf32, #tpu.memory_space<hbm>>) dst(%dma_wait3A_96 : memref<64x128xf32, #tpu.memory_space<vmem>>)
    %add3A_103 = arith.constant 64 : i32
    %add3A_104 = arith.addi %mul3A_2, %add3A_103 : i32
    %dma_start3A_105 = arith.constant 1 : i32
    %dma_start3A_106 = arith.constant 0 : i32
    %dma_start3A_107 = arith.constant 0 : i32
    %dma_start3A_108 = arith.constant 0 : i32
    %dma_start3A_109 = tpu.memref_slice %arg6[%dma_start3A_105, %dma_start3A_107, %dma_start3A_108] : memref<8x64x128xf32, #tpu.memory_space<vmem>> -> memref<1x64x128xf32, #tpu.memory_space<vmem>>
    %dma_start3A_110 = tpu.memref_squeeze %dma_start3A_109 : memref<1x64x128xf32, #tpu.memory_space<vmem>> -> memref<64x128xf32, #tpu.memory_space<vmem>>
    %dma_start3A_111 = arith.constant 0 : i32
    %dma_start3A_112 = tpu.memref_slice %arg4[%dma_start3A_106, %add3A_104, %dma_start3A_111] : memref<100x4096x128xf32, #tpu.memory_space<hbm>> -> memref<1x64x128xf32, #tpu.memory_space<hbm>>
    %dma_start3A_113 = tpu.memref_squeeze %dma_start3A_112 : memref<1x64x128xf32, #tpu.memory_space<hbm>> -> memref<64x128xf32, #tpu.memory_space<hbm>>
    %dma_start3A_114 = arith.constant 0 : i32
    %dma_start3A_115 = tpu.memref_slice %arg4[%dma_start3A_106, %add3A_104, %dma_start3A_114] : memref<100x4096x128xf32, #tpu.memory_space<hbm>> -> memref<1x64x128xf32, #tpu.memory_space<hbm>>
    %dma_start3A_116 = tpu.memref_squeeze %dma_start3A_115 : memref<1x64x128xf32, #tpu.memory_space<hbm>> -> memref<64x128xf32, #tpu.memory_space<hbm>>
    %dma_start3A_117 = arith.constant 0 : i32
    %dma_start3A_118 = arith.constant 0 : i32
    %dma_start3A_119 = tpu.memref_slice %arg6[%dma_start3A_105, %dma_start3A_117, %dma_start3A_118] : memref<8x64x128xf32, #tpu.memory_space<vmem>> -> memref<1x64x128xf32, #tpu.memory_space<vmem>>
    %dma_start3A_120 = tpu.memref_squeeze %dma_start3A_119 : memref<1x64x128xf32, #tpu.memory_space<vmem>> -> memref<64x128xf32, #tpu.memory_space<vmem>>
    tpu.enqueue_dma source(%dma_start3A_120 : memref<64x128xf32, #tpu.memory_space<vmem>>) target(%dma_start3A_116 : memref<64x128xf32, #tpu.memory_space<hbm>>) target_semaphore(%arg16 : memref<!tpu.dma_semaphore, #tpu.memory_space<semaphore_mem>>)
    %dma_start3A_121 = arith.constant 2 : i32
    %dma_start3A_122 = arith.constant 5 : i32
    %dma_start3A_123 = arith.constant 0 : i32
    %dma_start3A_124 = arith.constant 0 : i32
    %dma_start3A_125 = tpu.memref_slice %arg6[%dma_start3A_122, %dma_start3A_123, %dma_start3A_124] : memref<8x64x128xf32, #tpu.memory_space<vmem>> -> memref<1x64x128xf32, #tpu.memory_space<vmem>>
    %dma_start3A_126 = tpu.memref_squeeze %dma_start3A_125 : memref<1x64x128xf32, #tpu.memory_space<vmem>> -> memref<64x128xf32, #tpu.memory_space<vmem>>
    %dma_start3A_127 = arith.constant 64 : i32
    %dma_start3A_128 = tpu.memref_slice %arg5[%dma_start3A_121, %dma_start3A_127] : memref<100x128xi32, #tpu.memory_space<vmem>> -> memref<1x64xi32, #tpu.memory_space<vmem>>
    %dma_start3A_129 = tpu.memref_squeeze %dma_start3A_128 : memref<1x64xi32, #tpu.memory_space<vmem>> -> memref<64xi32, #tpu.memory_space<vmem>>
    %dma_start3A_130 = arith.constant 0 : i32
    %dma_start3A_131 = arith.constant 0 : i32
    %dma_start3A_132 = tpu.memref_slice %arg3[%dma_start3A_130, %dma_start3A_131] : memref<100000x128xf32, #tpu.memory_space<hbm>> -> memref<100000x128xf32, #tpu.memory_space<hbm>>
    tpu.enqueue_indirect_dma source(%dma_start3A_132 : memref<100000x128xf32, #tpu.memory_space<hbm>>) target(%dma_start3A_126 : memref<64x128xf32, #tpu.memory_space<vmem>>) offsets(%dma_start3A_129 : memref<64xi32, #tpu.memory_space<vmem>>) semaphore(%arg12 : memref<!tpu.dma_semaphore, #tpu.memory_space<semaphore_mem>>)
    %dma_wait3A_133 = arith.constant 0 : i32
    %dma_wait3A_134 = arith.constant 2 : i32
    %dma_wait3A_135 = arith.constant 0 : i32
    %dma_wait3A_136 = arith.constant 0 : i32
    %dma_wait3A_137 = tpu.memref_slice %arg6[%dma_wait3A_134, %dma_wait3A_135, %dma_wait3A_136] : memref<8x64x128xf32, #tpu.memory_space<vmem>> -> memref<1x64x128xf32, #tpu.memory_space<vmem>>
    %dma_wait3A_138 = tpu.memref_squeeze %dma_wait3A_137 : memref<1x64x128xf32, #tpu.memory_space<vmem>> -> memref<64x128xf32, #tpu.memory_space<vmem>>
    %dma_wait3A_139 = arith.constant 0 : i32
    %dma_wait3A_140 = tpu.memref_slice %arg5[%dma_wait3A_133, %dma_wait3A_139] : memref<100x128xi32, #tpu.memory_space<vmem>> -> memref<1x64xi32, #tpu.memory_space<vmem>>
    %dma_wait3A_141 = tpu.memref_squeeze %dma_wait3A_140 : memref<1x64xi32, #tpu.memory_space<vmem>> -> memref<64xi32, #tpu.memory_space<vmem>>
    %dma_wait3A_142 = arith.constant 0 : i32
    %dma_wait3A_143 = arith.constant 0 : i32
    %dma_wait3A_144 = tpu.memref_slice %arg3[%dma_wait3A_142, %dma_wait3A_143] : memref<100000x128xf32, #tpu.memory_space<hbm>> -> memref<100000x128xf32, #tpu.memory_space<hbm>>
    tpu.wait_indirect_dma semaphore(%arg9 : memref<!tpu.dma_semaphore, #tpu.memory_space<semaphore_mem>>) src(%dma_wait3A_144 : memref<100000x128xf32, #tpu.memory_space<hbm>>) dst(%dma_wait3A_138 : memref<64x128xf32, #tpu.memory_space<vmem>>)
    %add3A_145 = arith.constant 0 : i32
    %add3A_146 = arith.addi %mul3A_2, %add3A_145 : i32
    %dma_start3A_147 = arith.constant 2 : i32
    %dma_start3A_148 = arith.constant 1 : i32
    %dma_start3A_149 = arith.constant 0 : i32
    %dma_start3A_150 = arith.constant 0 : i32
    %dma_start3A_151 = tpu.memref_slice %arg6[%dma_start3A_147, %dma_start3A_149, %dma_start3A_150] : memref<8x64x128xf32, #tpu.memory_space<vmem>> -> memref<1x64x128xf32, #tpu.memory_space<vmem>>
    %dma_start3A_152 = tpu.memref_squeeze %dma_start3A_151 : memref<1x64x128xf32, #tpu.memory_space<vmem>> -> memref<64x128xf32, #tpu.memory_space<vmem>>
    %dma_start3A_153 = arith.constant 0 : i32
    %dma_start3A_154 = tpu.memref_slice %arg4[%dma_start3A_148, %add3A_146, %dma_start3A_153] : memref<100x4096x128xf32, #tpu.memory_space<hbm>> -> memref<1x64x128xf32, #tpu.memory_space<hbm>>
    %dma_start3A_155 = tpu.memref_squeeze %dma_start3A_154 : memref<1x64x128xf32, #tpu.memory_space<hbm>> -> memref<64x128xf32, #tpu.memory_space<hbm>>
    %dma_start3A_156 = arith.constant 0 : i32
    %dma_start3A_157 = tpu.memref_slice %arg4[%dma_start3A_148, %add3A_146, %dma_start3A_156] : memref<100x4096x128xf32, #tpu.memory_space<hbm>> -> memref<1x64x128xf32, #tpu.memory_space<hbm>>
    %dma_start3A_158 = tpu.memref_squeeze %dma_start3A_157 : memref<1x64x128xf32, #tpu.memory_space<hbm>> -> memref<64x128xf32, #tpu.memory_space<hbm>>
    %dma_start3A_159 = arith.constant 0 : i32
    %dma_start3A_160 = arith.constant 0 : i32
    %dma_start3A_161 = tpu.memref_slice %arg6[%dma_start3A_147, %dma_start3A_159, %dma_start3A_160] : memref<8x64x128xf32, #tpu.memory_space<vmem>> -> memref<1x64x128xf32, #tpu.memory_space<vmem>>
    %dma_start3A_162 = tpu.memref_squeeze %dma_start3A_161 : memref<1x64x128xf32, #tpu.memory_space<vmem>> -> memref<64x128xf32, #tpu.memory_space<vmem>>
    tpu.enqueue_dma source(%dma_start3A_162 : memref<64x128xf32, #tpu.memory_space<vmem>>) target(%dma_start3A_158 : memref<64x128xf32, #tpu.memory_space<hbm>>) target_semaphore(%arg17 : memref<!tpu.dma_semaphore, #tpu.memory_space<semaphore_mem>>)
    %dma_start3A_163 = arith.constant 3 : i32
    %dma_start3A_164 = arith.constant 6 : i32
    %dma_start3A_165 = arith.constant 0 : i32
    %dma_start3A_166 = arith.constant 0 : i32
    %dma_start3A_167 = tpu.memref_slice %arg6[%dma_start3A_164, %dma_start3A_165, %dma_start3A_166] : memref<8x64x128xf32, #tpu.memory_space<vmem>> -> memref<1x64x128xf32, #tpu.memory_space<vmem>>
    %dma_start3A_168 = tpu.memref_squeeze %dma_start3A_167 : memref<1x64x128xf32, #tpu.memory_space<vmem>> -> memref<64x128xf32, #tpu.memory_space<vmem>>
    %dma_start3A_169 = arith.constant 0 : i32
    %dma_start3A_170 = tpu.memref_slice %arg5[%dma_start3A_163, %dma_start3A_169] : memref<100x128xi32, #tpu.memory_space<vmem>> -> memref<1x64xi32, #tpu.memory_space<vmem>>
    %dma_start3A_171 = tpu.memref_squeeze %dma_start3A_170 : memref<1x64xi32, #tpu.memory_space<vmem>> -> memref<64xi32, #tpu.memory_space<vmem>>
    %dma_start3A_172 = arith.constant 0 : i32
    %dma_start3A_173 = arith.constant 0 : i32
    %dma_start3A_174 = tpu.memref_slice %arg3[%dma_start3A_172, %dma_start3A_173] : memref<100000x128xf32, #tpu.memory_space<hbm>> -> memref<100000x128xf32, #tpu.memory_space<hbm>>
    tpu.enqueue_indirect_dma source(%dma_start3A_174 : memref<100000x128xf32, #tpu.memory_space<hbm>>) target(%dma_start3A_168 : memref<64x128xf32, #tpu.memory_space<vmem>>) offsets(%dma_start3A_171 : memref<64xi32, #tpu.memory_space<vmem>>) semaphore(%arg13 : memref<!tpu.dma_semaphore, #tpu.memory_space<semaphore_mem>>)
    %dma_wait3A_175 = arith.constant 0 : i32
    %dma_wait3A_176 = arith.constant 3 : i32
    %dma_wait3A_177 = arith.constant 0 : i32
    %dma_wait3A_178 = arith.constant 0 : i32
    %dma_wait3A_179 = tpu.memref_slice %arg6[%dma_wait3A_176, %dma_wait3A_177, %dma_wait3A_178] : memref<8x64x128xf32, #tpu.memory_space<vmem>> -> memref<1x64x128xf32, #tpu.memory_space<vmem>>
    %dma_wait3A_180 = tpu.memref_squeeze %dma_wait3A_179 : memref<1x64x128xf32, #tpu.memory_space<vmem>> -> memref<64x128xf32, #tpu.memory_space<vmem>>
    %dma_wait3A_181 = arith.constant 0 : i32
    %dma_wait3A_182 = tpu.memref_slice %arg5[%dma_wait3A_175, %dma_wait3A_181] : memref<100x128xi32, #tpu.memory_space<vmem>> -> memref<1x64xi32, #tpu.memory_space<vmem>>
    %dma_wait3A_183 = tpu.memref_squeeze %dma_wait3A_182 : memref<1x64xi32, #tpu.memory_space<vmem>> -> memref<64xi32, #tpu.memory_space<vmem>>
    %dma_wait3A_184 = arith.constant 0 : i32
    %dma_wait3A_185 = arith.constant 0 : i32
    %dma_wait3A_186 = tpu.memref_slice %arg3[%dma_wait3A_184, %dma_wait3A_185] : memref<100000x128xf32, #tpu.memory_space<hbm>> -> memref<100000x128xf32, #tpu.memory_space<hbm>>
    tpu.wait_indirect_dma semaphore(%arg10 : memref<!tpu.dma_semaphore, #tpu.memory_space<semaphore_mem>>) src(%dma_wait3A_186 : memref<100000x128xf32, #tpu.memory_space<hbm>>) dst(%dma_wait3A_180 : memref<64x128xf32, #tpu.memory_space<vmem>>)
    %add3A_187 = arith.constant 64 : i32
    %add3A_188 = arith.addi %mul3A_2, %add3A_187 : i32
    %dma_start3A_189 = arith.constant 3 : i32
    %dma_start3A_190 = arith.constant 1 : i32
    %dma_start3A_191 = arith.constant 0 : i32
    %dma_start3A_192 = arith.constant 0 : i32
    %dma_start3A_193 = tpu.memref_slice %arg6[%dma_start3A_189, %dma_start3A_191, %dma_start3A_192] : memref<8x64x128xf32, #tpu.memory_space<vmem>> -> memref<1x64x128xf32, #tpu.memory_space<vmem>>
    %dma_start3A_194 = tpu.memref_squeeze %dma_start3A_193 : memref<1x64x128xf32, #tpu.memory_space<vmem>> -> memref<64x128xf32, #tpu.memory_space<vmem>>
    %dma_start3A_195 = arith.constant 0 : i32
    %dma_start3A_196 = tpu.memref_slice %arg4[%dma_start3A_190, %add3A_188, %dma_start3A_195] : memref<100x4096x128xf32, #tpu.memory_space<hbm>> -> memref<1x64x128xf32, #tpu.memory_space<hbm>>
    %dma_start3A_197 = tpu.memref_squeeze %dma_start3A_196 : memref<1x64x128xf32, #tpu.memory_space<hbm>> -> memref<64x128xf32, #tpu.memory_space<hbm>>
    %dma_start3A_198 = arith.constant 0 : i32
    %dma_start3A_199 = tpu.memref_slice %arg4[%dma_start3A_190, %add3A_188, %dma_start3A_198] : memref<100x4096x128xf32, #tpu.memory_space<hbm>> -> memref<1x64x128xf32, #tpu.memory_space<hbm>>
    %dma_start3A_200 = tpu.memref_squeeze %dma_start3A_199 : memref<1x64x128xf32, #tpu.memory_space<hbm>> -> memref<64x128xf32, #tpu.memory_space<hbm>>
    %dma_start3A_201 = arith.constant 0 : i32
    %dma_start3A_202 = arith.constant 0 : i32
    %dma_start3A_203 = tpu.memref_slice %arg6[%dma_start3A_189, %dma_start3A_201, %dma_start3A_202] : memref<8x64x128xf32, #tpu.memory_space<vmem>> -> memref<1x64x128xf32, #tpu.memory_space<vmem>>
    %dma_start3A_204 = tpu.memref_squeeze %dma_start3A_203 : memref<1x64x128xf32, #tpu.memory_space<vmem>> -> memref<64x128xf32, #tpu.memory_space<vmem>>
    tpu.enqueue_dma source(%dma_start3A_204 : memref<64x128xf32, #tpu.memory_space<vmem>>) target(%dma_start3A_200 : memref<64x128xf32, #tpu.memory_space<hbm>>) target_semaphore(%arg18 : memref<!tpu.dma_semaphore, #tpu.memory_space<semaphore_mem>>)
    %dma_start3A_205 = arith.constant 3 : i32
    %dma_start3A_206 = arith.constant 7 : i32
    %dma_start3A_207 = arith.constant 0 : i32
    %dma_start3A_208 = arith.constant 0 : i32
    %dma_start3A_209 = tpu.memref_slice %arg6[%dma_start3A_206, %dma_start3A_207, %dma_start3A_208] : memref<8x64x128xf32, #tpu.memory_space<vmem>> -> memref<1x64x128xf32, #tpu.memory_space<vmem>>
    %dma_start3A_210 = tpu.memref_squeeze %dma_start3A_209 : memref<1x64x128xf32, #tpu.memory_space<vmem>> -> memref<64x128xf32, #tpu.memory_space<vmem>>
    %dma_start3A_211 = arith.constant 64 : i32
    %dma_start3A_212 = tpu.memref_slice %arg5[%dma_start3A_205, %dma_start3A_211] : memref<100x128xi32, #tpu.memory_space<vmem>> -> memref<1x64xi32, #tpu.memory_space<vmem>>
    %dma_start3A_213 = tpu.memref_squeeze %dma_start3A_212 : memref<1x64xi32, #tpu.memory_space<vmem>> -> memref<64xi32, #tpu.memory_space<vmem>>
    %dma_start3A_214 = arith.constant 0 : i32
    %dma_start3A_215 = arith.constant 0 : i32
    %dma_start3A_216 = tpu.memref_slice %arg3[%dma_start3A_214, %dma_start3A_215] : memref<100000x128xf32, #tpu.memory_space<hbm>> -> memref<100000x128xf32, #tpu.memory_space<hbm>>
    tpu.enqueue_indirect_dma source(%dma_start3A_216 : memref<100000x128xf32, #tpu.memory_space<hbm>>) target(%dma_start3A_210 : memref<64x128xf32, #tpu.memory_space<vmem>>) offsets(%dma_start3A_213 : memref<64xi32, #tpu.memory_space<vmem>>) semaphore(%arg14 : memref<!tpu.dma_semaphore, #tpu.memory_space<semaphore_mem>>)
    %dma_wait3A_217 = arith.constant 0 : i32
    %dma_wait3A_218 = arith.constant 4 : i32
    %dma_wait3A_219 = arith.constant 0 : i32
    %dma_wait3A_220 = arith.constant 0 : i32
    %dma_wait3A_221 = tpu.memref_slice %arg6[%dma_wait3A_218, %dma_wait3A_219, %dma_wait3A_220] : memref<8x64x128xf32, #tpu.memory_space<vmem>> -> memref<1x64x128xf32, #tpu.memory_space<vmem>>
    %dma_wait3A_222 = tpu.memref_squeeze %dma_wait3A_221 : memref<1x64x128xf32, #tpu.memory_space<vmem>> -> memref<64x128xf32, #tpu.memory_space<vmem>>
    %dma_wait3A_223 = arith.constant 0 : i32
    %dma_wait3A_224 = tpu.memref_slice %arg5[%dma_wait3A_217, %dma_wait3A_223] : memref<100x128xi32, #tpu.memory_space<vmem>> -> memref<1x64xi32, #tpu.memory_space<vmem>>
    %dma_wait3A_225 = tpu.memref_squeeze %dma_wait3A_224 : memref<1x64xi32, #tpu.memory_space<vmem>> -> memref<64xi32, #tpu.memory_space<vmem>>
    %dma_wait3A_226 = arith.constant 0 : i32
    %dma_wait3A_227 = arith.constant 0 : i32
    %dma_wait3A_228 = tpu.memref_slice %arg3[%dma_wait3A_226, %dma_wait3A_227] : memref<100000x128xf32, #tpu.memory_space<hbm>> -> memref<100000x128xf32, #tpu.memory_space<hbm>>
    tpu.wait_indirect_dma semaphore(%arg11 : memref<!tpu.dma_semaphore, #tpu.memory_space<semaphore_mem>>) src(%dma_wait3A_228 : memref<100000x128xf32, #tpu.memory_space<hbm>>) dst(%dma_wait3A_222 : memref<64x128xf32, #tpu.memory_space<vmem>>)
    %add3A_229 = arith.constant 0 : i32
    %add3A_230 = arith.addi %mul3A_2, %add3A_229 : i32
    %dma_start3A_231 = arith.constant 4 : i32
    %dma_start3A_232 = arith.constant 2 : i32
    %dma_start3A_233 = arith.constant 0 : i32
    %dma_start3A_234 = arith.constant 0 : i32
    %dma_start3A_235 = tpu.memref_slice %arg6[%dma_start3A_231, %dma_start3A_233, %dma_start3A_234] : memref<8x64x128xf32, #tpu.memory_space<vmem>> -> memref<1x64x128xf32, #tpu.memory_space<vmem>>
    %dma_start3A_236 = tpu.memref_squeeze %dma_start3A_235 : memref<1x64x128xf32, #tpu.memory_space<vmem>> -> memref<64x128xf32, #tpu.memory_space<vmem>>
    %dma_start3A_237 = arith.constant 0 : i32
    %dma_start3A_238 = tpu.memref_slice %arg4[%dma_start3A_232, %add3A_230, %dma_start3A_237] : memref<100x4096x128xf32, #tpu.memory_space<hbm>> -> memref<1x64x128xf32, #tpu.memory_space<hbm>>
    %dma_start3A_239 = tpu.memref_squeeze %dma_start3A_238 : memref<1x64x128xf32, #tpu.memory_space<hbm>> -> memref<64x128xf32, #tpu.memory_space<hbm>>
    %dma_start3A_240 = arith.constant 0 : i32
    %dma_start3A_241 = tpu.memref_slice %arg4[%dma_start3A_232, %add3A_230, %dma_start3A_240] : memref<100x4096x128xf32, #tpu.memory_space<hbm>> -> memref<1x64x128xf32, #tpu.memory_space<hbm>>
    %dma_start3A_242 = tpu.memref_squeeze %dma_start3A_241 : memref<1x64x128xf32, #tpu.memory_space<hbm>> -> memref<64x128xf32, #tpu.memory_space<hbm>>
    %dma_start3A_243 = arith.constant 0 : i32
    %dma_start3A_244 = arith.constant 0 : i32
    %dma_start3A_245 = tpu.memref_slice %arg6[%dma_start3A_231, %dma_start3A_243, %dma_start3A_244] : memref<8x64x128xf32, #tpu.memory_space<vmem>> -> memref<1x64x128xf32, #tpu.memory_space<vmem>>
    %dma_start3A_246 = tpu.memref_squeeze %dma_start3A_245 : memref<1x64x128xf32, #tpu.memory_space<vmem>> -> memref<64x128xf32, #tpu.memory_space<vmem>>
    tpu.enqueue_dma source(%dma_start3A_246 : memref<64x128xf32, #tpu.memory_space<vmem>>) target(%dma_start3A_242 : memref<64x128xf32, #tpu.memory_space<hbm>>) target_semaphore(%arg19 : memref<!tpu.dma_semaphore, #tpu.memory_space<semaphore_mem>>)
    %scan3A = arith.constant 0 : i32
    %scan3A_247 = arith.constant 24 : i32
    %scan3A_248 = arith.addi %scan3A, %scan3A_247 : i32
    %scan3A_249 = arith.constant 1 : i32
    scf.for %scan3A_469 = %scan3A to %scan3A_248 step %scan3A_249  : i32 {
      %mul3A_470 = arith.constant 1 : i32
      %mul3A_471 = arith.muli %scan3A_469, %mul3A_470 : i32
      %add3A_472 = arith.constant 1 : i32
      %add3A_473 = arith.addi %add3A_472, %mul3A_471 : i32
      %mul3A_474 = arith.constant 8 : i32
      %mul3A_475 = arith.muli %add3A_473, %mul3A_474 : i32
      %add3A_476 = arith.constant 0 : i32
      %add3A_477 = arith.addi %mul3A_475, %add3A_476 : i32
      %dma_wait3A_478 = arith.constant 0 : i32
      %dma_wait3A_479 = arith.constant 0 : i32
      %dma_wait3A_480 = arith.constant 0 : i32
      %dma_wait3A_481 = arith.constant 0 : i32
      %dma_wait3A_482 = tpu.memref_slice %arg6[%dma_wait3A_478, %dma_wait3A_480, %dma_wait3A_481] : memref<8x64x128xf32, #tpu.memory_space<vmem>> -> memref<1x64x128xf32, #tpu.memory_space<vmem>>
      %dma_wait3A_483 = tpu.memref_squeeze %dma_wait3A_482 : memref<1x64x128xf32, #tpu.memory_space<vmem>> -> memref<64x128xf32, #tpu.memory_space<vmem>>
      %dma_wait3A_484 = arith.constant 0 : i32
      %dma_wait3A_485 = tpu.memref_slice %arg4[%dma_wait3A_479, %mul3A_2, %dma_wait3A_484] : memref<100x4096x128xf32, #tpu.memory_space<hbm>> -> memref<1x64x128xf32, #tpu.memory_space<hbm>>
      %dma_wait3A_486 = tpu.memref_squeeze %dma_wait3A_485 : memref<1x64x128xf32, #tpu.memory_space<hbm>> -> memref<64x128xf32, #tpu.memory_space<hbm>>
      %dma_wait3A_487 = arith.constant 0 : i32
      %dma_wait3A_488 = tpu.memref_slice %arg4[%dma_wait3A_479, %mul3A_2, %dma_wait3A_487] : memref<100x4096x128xf32, #tpu.memory_space<hbm>> -> memref<1x64x128xf32, #tpu.memory_space<hbm>>
      %dma_wait3A_489 = tpu.memref_squeeze %dma_wait3A_488 : memref<1x64x128xf32, #tpu.memory_space<hbm>> -> memref<64x128xf32, #tpu.memory_space<hbm>>
      %dma_wait3A_490 = arith.constant 0 : i32
      %dma_wait3A_491 = arith.constant 0 : i32
      %dma_wait3A_492 = tpu.memref_slice %arg6[%dma_wait3A_478, %dma_wait3A_490, %dma_wait3A_491] : memref<8x64x128xf32, #tpu.memory_space<vmem>> -> memref<1x64x128xf32, #tpu.memory_space<vmem>>
      %dma_wait3A_493 = tpu.memref_squeeze %dma_wait3A_492 : memref<1x64x128xf32, #tpu.memory_space<vmem>> -> memref<64x128xf32, #tpu.memory_space<vmem>>
      tpu.wait_dma2 semaphore(%arg15 : memref<!tpu.dma_semaphore, #tpu.memory_space<semaphore_mem>>) src(%dma_wait3A_493 : memref<64x128xf32, #tpu.memory_space<vmem>>) dst(%dma_wait3A_489 : memref<64x128xf32, #tpu.memory_space<hbm>>)
      %jit3A = arith.constant 2 : i32
      %div3A = arith.divsi %add3A_477, %jit3A : i32
      %sign3A = arith.constant 0 : i32
      %sign3A_494 = arith.cmpi sgt, %add3A_477, %sign3A : i32
      %sign3A_495 = arith.extui %sign3A_494 : i1 to i32
      %sign3A_496 = arith.constant 0 : i32
      %sign3A_497 = arith.cmpi slt, %add3A_477, %sign3A_496 : i32
      %sign3A_498 = arith.extui %sign3A_497 : i1 to i32
      %sign3A_499 = arith.subi %sign3A_495, %sign3A_498 : i32
      %sign3A_500 = arith.constant 0 : i32
      %sign3A_501 = arith.cmpi sgt, %jit3A, %sign3A_500 : i32
      %sign3A_502 = arith.extui %sign3A_501 : i1 to i32
      %sign3A_503 = arith.constant 0 : i32
      %sign3A_504 = arith.cmpi slt, %jit3A, %sign3A_503 : i32
      %sign3A_505 = arith.extui %sign3A_504 : i1 to i32
      %sign3A_506 = arith.subi %sign3A_502, %sign3A_505 : i32
      %ne3A = arith.cmpi ne, %sign3A_499, %sign3A_506 : i32
      %rem3A = arith.remsi %add3A_477, %jit3A : i32
      %ne3A_507 = arith.constant 0 : i32
      %ne3A_508 = arith.cmpi ne, %rem3A, %ne3A_507 : i32
      %and3A = arith.andi %ne3A, %ne3A_508 : i1
      %sub3A = arith.constant 1 : i32
      %sub3A_509 = arith.subi %div3A, %sub3A : i32
      %select_n3A = arith.select %and3A, %sub3A_509, %div3A : i32
      %jit3A_510 = arith.constant 2 : i32
      %eq3A = arith.constant 0 : i32
      %eq3A_511 = arith.cmpi eq, %jit3A_510, %eq3A : i32
      %jit3A_512 = arith.constant 1 : i32
      %select_n3A_513 = arith.select %eq3A_511, %jit3A_512, %jit3A_510 : i32
      %rem3A_514 = arith.remsi %add3A_477, %select_n3A_513 : i32
      %ne3A_515 = arith.constant 0 : i32
      %ne3A_516 = arith.cmpi ne, %rem3A_514, %ne3A_515 : i32
      %lt3A = arith.constant 0 : i32
      %lt3A_517 = arith.cmpi slt, %rem3A_514, %lt3A : i32
      %lt3A_518 = arith.constant 0 : i32
      %lt3A_519 = arith.cmpi slt, %select_n3A_513, %lt3A_518 : i32
      %ne3A_520 = arith.xori %lt3A_517, %lt3A_519 : i1
      %and3A_521 = arith.andi %ne3A_520, %ne3A_516 : i1
      %add3A_522 = arith.addi %rem3A_514, %select_n3A_513 : i32
      %select_n3A_523 = arith.select %and3A_521, %add3A_522, %rem3A_514 : i32
      %mul3A_524 = arith.constant 64 : i32
      %mul3A_525 = arith.muli %select_n3A_523, %mul3A_524 : i32
      %dma_start3A_526 = arith.constant 0 : i32
      %dma_start3A_527 = arith.constant 0 : i32
      %dma_start3A_528 = arith.constant 0 : i32
      %dma_start3A_529 = tpu.memref_slice %arg6[%dma_start3A_526, %dma_start3A_527, %dma_start3A_528] : memref<8x64x128xf32, #tpu.memory_space<vmem>> -> memref<1x64x128xf32, #tpu.memory_space<vmem>>
      %dma_start3A_530 = tpu.memref_squeeze %dma_start3A_529 : memref<1x64x128xf32, #tpu.memory_space<vmem>> -> memref<64x128xf32, #tpu.memory_space<vmem>>
      %dma_start3A_531 = tpu.memref_slice %arg5[%select_n3A, %mul3A_525] : memref<100x128xi32, #tpu.memory_space<vmem>> -> memref<1x64xi32, #tpu.memory_space<vmem>>
      %dma_start3A_532 = tpu.memref_squeeze %dma_start3A_531 : memref<1x64xi32, #tpu.memory_space<vmem>> -> memref<64xi32, #tpu.memory_space<vmem>>
      %dma_start3A_533 = arith.constant 0 : i32
      %dma_start3A_534 = arith.constant 0 : i32
      %dma_start3A_535 = tpu.memref_slice %arg3[%dma_start3A_533, %dma_start3A_534] : memref<100000x128xf32, #tpu.memory_space<hbm>> -> memref<100000x128xf32, #tpu.memory_space<hbm>>
      tpu.enqueue_indirect_dma source(%dma_start3A_535 : memref<100000x128xf32, #tpu.memory_space<hbm>>) target(%dma_start3A_530 : memref<64x128xf32, #tpu.memory_space<vmem>>) offsets(%dma_start3A_532 : memref<64xi32, #tpu.memory_space<vmem>>) semaphore(%arg7 : memref<!tpu.dma_semaphore, #tpu.memory_space<semaphore_mem>>)
      %dma_wait3A_536 = arith.constant 0 : i32
      %dma_wait3A_537 = arith.constant 5 : i32
      %dma_wait3A_538 = arith.constant 0 : i32
      %dma_wait3A_539 = arith.constant 0 : i32
      %dma_wait3A_540 = tpu.memref_slice %arg6[%dma_wait3A_537, %dma_wait3A_538, %dma_wait3A_539] : memref<8x64x128xf32, #tpu.memory_space<vmem>> -> memref<1x64x128xf32, #tpu.memory_space<vmem>>
      %dma_wait3A_541 = tpu.memref_squeeze %dma_wait3A_540 : memref<1x64x128xf32, #tpu.memory_space<vmem>> -> memref<64x128xf32, #tpu.memory_space<vmem>>
      %dma_wait3A_542 = arith.constant 0 : i32
      %dma_wait3A_543 = tpu.memref_slice %arg5[%dma_wait3A_536, %dma_wait3A_542] : memref<100x128xi32, #tpu.memory_space<vmem>> -> memref<1x64xi32, #tpu.memory_space<vmem>>
      %dma_wait3A_544 = tpu.memref_squeeze %dma_wait3A_543 : memref<1x64xi32, #tpu.memory_space<vmem>> -> memref<64xi32, #tpu.memory_space<vmem>>
      %dma_wait3A_545 = arith.constant 0 : i32
      %dma_wait3A_546 = arith.constant 0 : i32
      %dma_wait3A_547 = tpu.memref_slice %arg3[%dma_wait3A_545, %dma_wait3A_546] : memref<100000x128xf32, #tpu.memory_space<hbm>> -> memref<100000x128xf32, #tpu.memory_space<hbm>>
      tpu.wait_indirect_dma semaphore(%arg12 : memref<!tpu.dma_semaphore, #tpu.memory_space<semaphore_mem>>) src(%dma_wait3A_547 : memref<100000x128xf32, #tpu.memory_space<hbm>>) dst(%dma_wait3A_541 : memref<64x128xf32, #tpu.memory_space<vmem>>)
      %sub3A_548 = arith.constant 3 : i32
      %sub3A_549 = arith.subi %add3A_477, %sub3A_548 : i32
      %jit3A_550 = arith.constant 2 : i32
      %div3A_551 = arith.divsi %sub3A_549, %jit3A_550 : i32
      %sign3A_552 = arith.constant 0 : i32
      %sign3A_553 = arith.cmpi sgt, %sub3A_549, %sign3A_552 : i32
      %sign3A_554 = arith.extui %sign3A_553 : i1 to i32
      %sign3A_555 = arith.constant 0 : i32
      %sign3A_556 = arith.cmpi slt, %sub3A_549, %sign3A_555 : i32
      %sign3A_557 = arith.extui %sign3A_556 : i1 to i32
      %sign3A_558 = arith.subi %sign3A_554, %sign3A_557 : i32
      %sign3A_559 = arith.constant 0 : i32
      %sign3A_560 = arith.cmpi sgt, %jit3A_550, %sign3A_559 : i32
      %sign3A_561 = arith.extui %sign3A_560 : i1 to i32
      %sign3A_562 = arith.constant 0 : i32
      %sign3A_563 = arith.cmpi slt, %jit3A_550, %sign3A_562 : i32
      %sign3A_564 = arith.extui %sign3A_563 : i1 to i32
      %sign3A_565 = arith.subi %sign3A_561, %sign3A_564 : i32
      %ne3A_566 = arith.cmpi ne, %sign3A_558, %sign3A_565 : i32
      %rem3A_567 = arith.remsi %sub3A_549, %jit3A_550 : i32
      %ne3A_568 = arith.constant 0 : i32
      %ne3A_569 = arith.cmpi ne, %rem3A_567, %ne3A_568 : i32
      %and3A_570 = arith.andi %ne3A_566, %ne3A_569 : i1
      %sub3A_571 = arith.constant 1 : i32
      %sub3A_572 = arith.subi %div3A_551, %sub3A_571 : i32
      %select_n3A_573 = arith.select %and3A_570, %sub3A_572, %div3A_551 : i32
      %jit3A_574 = arith.constant 2 : i32
      %eq3A_575 = arith.constant 0 : i32
      %eq3A_576 = arith.cmpi eq, %jit3A_574, %eq3A_575 : i32
      %jit3A_577 = arith.constant 1 : i32
      %select_n3A_578 = arith.select %eq3A_576, %jit3A_577, %jit3A_574 : i32
      %rem3A_579 = arith.remsi %sub3A_549, %select_n3A_578 : i32
      %ne3A_580 = arith.constant 0 : i32
      %ne3A_581 = arith.cmpi ne, %rem3A_579, %ne3A_580 : i32
      %lt3A_582 = arith.constant 0 : i32
      %lt3A_583 = arith.cmpi slt, %rem3A_579, %lt3A_582 : i32
      %lt3A_584 = arith.constant 0 : i32
      %lt3A_585 = arith.cmpi slt, %select_n3A_578, %lt3A_584 : i32
      %ne3A_586 = arith.xori %lt3A_583, %lt3A_585 : i1
      %and3A_587 = arith.andi %ne3A_586, %ne3A_581 : i1
      %add3A_588 = arith.addi %rem3A_579, %select_n3A_578 : i32
      %select_n3A_589 = arith.select %and3A_587, %add3A_588, %rem3A_579 : i32
      %mul3A_590 = arith.constant 64 : i32
      %mul3A_591 = arith.muli %select_n3A_589, %mul3A_590 : i32
      %add3A_592 = arith.addi %mul3A_2, %mul3A_591 : i32
      %dma_start3A_593 = arith.constant 5 : i32
      %dma_start3A_594 = arith.constant 0 : i32
      %dma_start3A_595 = arith.constant 0 : i32
      %dma_start3A_596 = tpu.memref_slice %arg6[%dma_start3A_593, %dma_start3A_594, %dma_start3A_595] : memref<8x64x128xf32, #tpu.memory_space<vmem>> -> memref<1x64x128xf32, #tpu.memory_space<vmem>>
      %dma_start3A_597 = tpu.memref_squeeze %dma_start3A_596 : memref<1x64x128xf32, #tpu.memory_space<vmem>> -> memref<64x128xf32, #tpu.memory_space<vmem>>
      %dma_start3A_598 = arith.constant 0 : i32
      %dma_start3A_599 = tpu.memref_slice %arg4[%select_n3A_573, %add3A_592, %dma_start3A_598] : memref<100x4096x128xf32, #tpu.memory_space<hbm>> -> memref<1x64x128xf32, #tpu.memory_space<hbm>>
      %dma_start3A_600 = tpu.memref_squeeze %dma_start3A_599 : memref<1x64x128xf32, #tpu.memory_space<hbm>> -> memref<64x128xf32, #tpu.memory_space<hbm>>
      %dma_start3A_601 = arith.constant 0 : i32
      %dma_start3A_602 = tpu.memref_slice %arg4[%select_n3A_573, %add3A_592, %dma_start3A_601] : memref<100x4096x128xf32, #tpu.memory_space<hbm>> -> memref<1x64x128xf32, #tpu.memory_space<hbm>>
      %dma_start3A_603 = tpu.memref_squeeze %dma_start3A_602 : memref<1x64x128xf32, #tpu.memory_space<hbm>> -> memref<64x128xf32, #tpu.memory_space<hbm>>
      %dma_start3A_604 = arith.constant 0 : i32
      %dma_start3A_605 = arith.constant 0 : i32
      %dma_start3A_606 = tpu.memref_slice %arg6[%dma_start3A_593, %dma_start3A_604, %dma_start3A_605] : memref<8x64x128xf32, #tpu.memory_space<vmem>> -> memref<1x64x128xf32, #tpu.memory_space<vmem>>
      %dma_start3A_607 = tpu.memref_squeeze %dma_start3A_606 : memref<1x64x128xf32, #tpu.memory_space<vmem>> -> memref<64x128xf32, #tpu.memory_space<vmem>>
      tpu.enqueue_dma source(%dma_start3A_607 : memref<64x128xf32, #tpu.memory_space<vmem>>) target(%dma_start3A_603 : memref<64x128xf32, #tpu.memory_space<hbm>>) target_semaphore(%arg20 : memref<!tpu.dma_semaphore, #tpu.memory_space<semaphore_mem>>)
      %add3A_608 = arith.constant 1 : i32
      %add3A_609 = arith.addi %mul3A_475, %add3A_608 : i32
      %dma_wait3A_610 = arith.constant 1 : i32
      %dma_wait3A_611 = arith.constant 0 : i32
      %dma_wait3A_612 = arith.constant 0 : i32
      %dma_wait3A_613 = arith.constant 0 : i32
      %dma_wait3A_614 = tpu.memref_slice %arg6[%dma_wait3A_610, %dma_wait3A_612, %dma_wait3A_613] : memref<8x64x128xf32, #tpu.memory_space<vmem>> -> memref<1x64x128xf32, #tpu.memory_space<vmem>>
      %dma_wait3A_615 = tpu.memref_squeeze %dma_wait3A_614 : memref<1x64x128xf32, #tpu.memory_space<vmem>> -> memref<64x128xf32, #tpu.memory_space<vmem>>
      %dma_wait3A_616 = arith.constant 0 : i32
      %dma_wait3A_617 = tpu.memref_slice %arg4[%dma_wait3A_611, %mul3A_2, %dma_wait3A_616] : memref<100x4096x128xf32, #tpu.memory_space<hbm>> -> memref<1x64x128xf32, #tpu.memory_space<hbm>>
      %dma_wait3A_618 = tpu.memref_squeeze %dma_wait3A_617 : memref<1x64x128xf32, #tpu.memory_space<hbm>> -> memref<64x128xf32, #tpu.memory_space<hbm>>
      %dma_wait3A_619 = arith.constant 0 : i32
      %dma_wait3A_620 = tpu.memref_slice %arg4[%dma_wait3A_611, %mul3A_2, %dma_wait3A_619] : memref<100x4096x128xf32, #tpu.memory_space<hbm>> -> memref<1x64x128xf32, #tpu.memory_space<hbm>>
      %dma_wait3A_621 = tpu.memref_squeeze %dma_wait3A_620 : memref<1x64x128xf32, #tpu.memory_space<hbm>> -> memref<64x128xf32, #tpu.memory_space<hbm>>
      %dma_wait3A_622 = arith.constant 0 : i32
      %dma_wait3A_623 = arith.constant 0 : i32
      %dma_wait3A_624 = tpu.memref_slice %arg6[%dma_wait3A_610, %dma_wait3A_622, %dma_wait3A_623] : memref<8x64x128xf32, #tpu.memory_space<vmem>> -> memref<1x64x128xf32, #tpu.memory_space<vmem>>
      %dma_wait3A_625 = tpu.memref_squeeze %dma_wait3A_624 : memref<1x64x128xf32, #tpu.memory_space<vmem>> -> memref<64x128xf32, #tpu.memory_space<vmem>>
      tpu.wait_dma2 semaphore(%arg16 : memref<!tpu.dma_semaphore, #tpu.memory_space<semaphore_mem>>) src(%dma_wait3A_625 : memref<64x128xf32, #tpu.memory_space<vmem>>) dst(%dma_wait3A_621 : memref<64x128xf32, #tpu.memory_space<hbm>>)
      %jit3A_626 = arith.constant 2 : i32
      %div3A_627 = arith.divsi %add3A_609, %jit3A_626 : i32
      %sign3A_628 = arith.constant 0 : i32
      %sign3A_629 = arith.cmpi sgt, %add3A_609, %sign3A_628 : i32
      %sign3A_630 = arith.extui %sign3A_629 : i1 to i32
      %sign3A_631 = arith.constant 0 : i32
      %sign3A_632 = arith.cmpi slt, %add3A_609, %sign3A_631 : i32
      %sign3A_633 = arith.extui %sign3A_632 : i1 to i32
      %sign3A_634 = arith.subi %sign3A_630, %sign3A_633 : i32
      %sign3A_635 = arith.constant 0 : i32
      %sign3A_636 = arith.cmpi sgt, %jit3A_626, %sign3A_635 : i32
      %sign3A_637 = arith.extui %sign3A_636 : i1 to i32
      %sign3A_638 = arith.constant 0 : i32
      %sign3A_639 = arith.cmpi slt, %jit3A_626, %sign3A_638 : i32
      %sign3A_640 = arith.extui %sign3A_639 : i1 to i32
      %sign3A_641 = arith.subi %sign3A_637, %sign3A_640 : i32
      %ne3A_642 = arith.cmpi ne, %sign3A_634, %sign3A_641 : i32
      %rem3A_643 = arith.remsi %add3A_609, %jit3A_626 : i32
      %ne3A_644 = arith.constant 0 : i32
      %ne3A_645 = arith.cmpi ne, %rem3A_643, %ne3A_644 : i32
      %and3A_646 = arith.andi %ne3A_642, %ne3A_645 : i1
      %sub3A_647 = arith.constant 1 : i32
      %sub3A_648 = arith.subi %div3A_627, %sub3A_647 : i32
      %select_n3A_649 = arith.select %and3A_646, %sub3A_648, %div3A_627 : i32
      %jit3A_650 = arith.constant 2 : i32
      %eq3A_651 = arith.constant 0 : i32
      %eq3A_652 = arith.cmpi eq, %jit3A_650, %eq3A_651 : i32
      %jit3A_653 = arith.constant 1 : i32
      %select_n3A_654 = arith.select %eq3A_652, %jit3A_653, %jit3A_650 : i32
      %rem3A_655 = arith.remsi %add3A_609, %select_n3A_654 : i32
      %ne3A_656 = arith.constant 0 : i32
      %ne3A_657 = arith.cmpi ne, %rem3A_655, %ne3A_656 : i32
      %lt3A_658 = arith.constant 0 : i32
      %lt3A_659 = arith.cmpi slt, %rem3A_655, %lt3A_658 : i32
      %lt3A_660 = arith.constant 0 : i32
      %lt3A_661 = arith.cmpi slt, %select_n3A_654, %lt3A_660 : i32
      %ne3A_662 = arith.xori %lt3A_659, %lt3A_661 : i1
      %and3A_663 = arith.andi %ne3A_662, %ne3A_657 : i1
      %add3A_664 = arith.addi %rem3A_655, %select_n3A_654 : i32
      %select_n3A_665 = arith.select %and3A_663, %add3A_664, %rem3A_655 : i32
      %mul3A_666 = arith.constant 64 : i32
      %mul3A_667 = arith.muli %select_n3A_665, %mul3A_666 : i32
      %dma_start3A_668 = arith.constant 1 : i32
      %dma_start3A_669 = arith.constant 0 : i32
      %dma_start3A_670 = arith.constant 0 : i32
      %dma_start3A_671 = tpu.memref_slice %arg6[%dma_start3A_668, %dma_start3A_669, %dma_start3A_670] : memref<8x64x128xf32, #tpu.memory_space<vmem>> -> memref<1x64x128xf32, #tpu.memory_space<vmem>>
      %dma_start3A_672 = tpu.memref_squeeze %dma_start3A_671 : memref<1x64x128xf32, #tpu.memory_space<vmem>> -> memref<64x128xf32, #tpu.memory_space<vmem>>
      %dma_start3A_673 = tpu.memref_slice %arg5[%select_n3A_649, %mul3A_667] : memref<100x128xi32, #tpu.memory_space<vmem>> -> memref<1x64xi32, #tpu.memory_space<vmem>>
      %dma_start3A_674 = tpu.memref_squeeze %dma_start3A_673 : memref<1x64xi32, #tpu.memory_space<vmem>> -> memref<64xi32, #tpu.memory_space<vmem>>
      %dma_start3A_675 = arith.constant 0 : i32
      %dma_start3A_676 = arith.constant 0 : i32
      %dma_start3A_677 = tpu.memref_slice %arg3[%dma_start3A_675, %dma_start3A_676] : memref<100000x128xf32, #tpu.memory_space<hbm>> -> memref<100000x128xf32, #tpu.memory_space<hbm>>
      tpu.enqueue_indirect_dma source(%dma_start3A_677 : memref<100000x128xf32, #tpu.memory_space<hbm>>) target(%dma_start3A_672 : memref<64x128xf32, #tpu.memory_space<vmem>>) offsets(%dma_start3A_674 : memref<64xi32, #tpu.memory_space<vmem>>) semaphore(%arg8 : memref<!tpu.dma_semaphore, #tpu.memory_space<semaphore_mem>>)
      %dma_wait3A_678 = arith.constant 0 : i32
      %dma_wait3A_679 = arith.constant 6 : i32
      %dma_wait3A_680 = arith.constant 0 : i32
      %dma_wait3A_681 = arith.constant 0 : i32
      %dma_wait3A_682 = tpu.memref_slice %arg6[%dma_wait3A_679, %dma_wait3A_680, %dma_wait3A_681] : memref<8x64x128xf32, #tpu.memory_space<vmem>> -> memref<1x64x128xf32, #tpu.memory_space<vmem>>
      %dma_wait3A_683 = tpu.memref_squeeze %dma_wait3A_682 : memref<1x64x128xf32, #tpu.memory_space<vmem>> -> memref<64x128xf32, #tpu.memory_space<vmem>>
      %dma_wait3A_684 = arith.constant 0 : i32
      %dma_wait3A_685 = tpu.memref_slice %arg5[%dma_wait3A_678, %dma_wait3A_684] : memref<100x128xi32, #tpu.memory_space<vmem>> -> memref<1x64xi32, #tpu.memory_space<vmem>>
      %dma_wait3A_686 = tpu.memref_squeeze %dma_wait3A_685 : memref<1x64xi32, #tpu.memory_space<vmem>> -> memref<64xi32, #tpu.memory_space<vmem>>
      %dma_wait3A_687 = arith.constant 0 : i32
      %dma_wait3A_688 = arith.constant 0 : i32
      %dma_wait3A_689 = tpu.memref_slice %arg3[%dma_wait3A_687, %dma_wait3A_688] : memref<100000x128xf32, #tpu.memory_space<hbm>> -> memref<100000x128xf32, #tpu.memory_space<hbm>>
      tpu.wait_indirect_dma semaphore(%arg13 : memref<!tpu.dma_semaphore, #tpu.memory_space<semaphore_mem>>) src(%dma_wait3A_689 : memref<100000x128xf32, #tpu.memory_space<hbm>>) dst(%dma_wait3A_683 : memref<64x128xf32, #tpu.memory_space<vmem>>)
      %sub3A_690 = arith.constant 3 : i32
      %sub3A_691 = arith.subi %add3A_609, %sub3A_690 : i32
      %jit3A_692 = arith.constant 2 : i32
      %div3A_693 = arith.divsi %sub3A_691, %jit3A_692 : i32
      %sign3A_694 = arith.constant 0 : i32
      %sign3A_695 = arith.cmpi sgt, %sub3A_691, %sign3A_694 : i32
      %sign3A_696 = arith.extui %sign3A_695 : i1 to i32
      %sign3A_697 = arith.constant 0 : i32
      %sign3A_698 = arith.cmpi slt, %sub3A_691, %sign3A_697 : i32
      %sign3A_699 = arith.extui %sign3A_698 : i1 to i32
      %sign3A_700 = arith.subi %sign3A_696, %sign3A_699 : i32
      %sign3A_701 = arith.constant 0 : i32
      %sign3A_702 = arith.cmpi sgt, %jit3A_692, %sign3A_701 : i32
      %sign3A_703 = arith.extui %sign3A_702 : i1 to i32
      %sign3A_704 = arith.constant 0 : i32
      %sign3A_705 = arith.cmpi slt, %jit3A_692, %sign3A_704 : i32
      %sign3A_706 = arith.extui %sign3A_705 : i1 to i32
      %sign3A_707 = arith.subi %sign3A_703, %sign3A_706 : i32
      %ne3A_708 = arith.cmpi ne, %sign3A_700, %sign3A_707 : i32
      %rem3A_709 = arith.remsi %sub3A_691, %jit3A_692 : i32
      %ne3A_710 = arith.constant 0 : i32
      %ne3A_711 = arith.cmpi ne, %rem3A_709, %ne3A_710 : i32
      %and3A_712 = arith.andi %ne3A_708, %ne3A_711 : i1
      %sub3A_713 = arith.constant 1 : i32
      %sub3A_714 = arith.subi %div3A_693, %sub3A_713 : i32
      %select_n3A_715 = arith.select %and3A_712, %sub3A_714, %div3A_693 : i32
      %jit3A_716 = arith.constant 2 : i32
      %eq3A_717 = arith.constant 0 : i32
      %eq3A_718 = arith.cmpi eq, %jit3A_716, %eq3A_717 : i32
      %jit3A_719 = arith.constant 1 : i32
      %select_n3A_720 = arith.select %eq3A_718, %jit3A_719, %jit3A_716 : i32
      %rem3A_721 = arith.remsi %sub3A_691, %select_n3A_720 : i32
      %ne3A_722 = arith.constant 0 : i32
      %ne3A_723 = arith.cmpi ne, %rem3A_721, %ne3A_722 : i32
      %lt3A_724 = arith.constant 0 : i32
      %lt3A_725 = arith.cmpi slt, %rem3A_721, %lt3A_724 : i32
      %lt3A_726 = arith.constant 0 : i32
      %lt3A_727 = arith.cmpi slt, %select_n3A_720, %lt3A_726 : i32
      %ne3A_728 = arith.xori %lt3A_725, %lt3A_727 : i1
      %and3A_729 = arith.andi %ne3A_728, %ne3A_723 : i1
      %add3A_730 = arith.addi %rem3A_721, %select_n3A_720 : i32
      %select_n3A_731 = arith.select %and3A_729, %add3A_730, %rem3A_721 : i32
      %mul3A_732 = arith.constant 64 : i32
      %mul3A_733 = arith.muli %select_n3A_731, %mul3A_732 : i32
      %add3A_734 = arith.addi %mul3A_2, %mul3A_733 : i32
      %dma_start3A_735 = arith.constant 6 : i32
      %dma_start3A_736 = arith.constant 0 : i32
      %dma_start3A_737 = arith.constant 0 : i32
      %dma_start3A_738 = tpu.memref_slice %arg6[%dma_start3A_735, %dma_start3A_736, %dma_start3A_737] : memref<8x64x128xf32, #tpu.memory_space<vmem>> -> memref<1x64x128xf32, #tpu.memory_space<vmem>>
      %dma_start3A_739 = tpu.memref_squeeze %dma_start3A_738 : memref<1x64x128xf32, #tpu.memory_space<vmem>> -> memref<64x128xf32, #tpu.memory_space<vmem>>
      %dma_start3A_740 = arith.constant 0 : i32
      %dma_start3A_741 = tpu.memref_slice %arg4[%select_n3A_715, %add3A_734, %dma_start3A_740] : memref<100x4096x128xf32, #tpu.memory_space<hbm>> -> memref<1x64x128xf32, #tpu.memory_space<hbm>>
      %dma_start3A_742 = tpu.memref_squeeze %dma_start3A_741 : memref<1x64x128xf32, #tpu.memory_space<hbm>> -> memref<64x128xf32, #tpu.memory_space<hbm>>
      %dma_start3A_743 = arith.constant 0 : i32
      %dma_start3A_744 = tpu.memref_slice %arg4[%select_n3A_715, %add3A_734, %dma_start3A_743] : memref<100x4096x128xf32, #tpu.memory_space<hbm>> -> memref<1x64x128xf32, #tpu.memory_space<hbm>>
      %dma_start3A_745 = tpu.memref_squeeze %dma_start3A_744 : memref<1x64x128xf32, #tpu.memory_space<hbm>> -> memref<64x128xf32, #tpu.memory_space<hbm>>
      %dma_start3A_746 = arith.constant 0 : i32
      %dma_start3A_747 = arith.constant 0 : i32
      %dma_start3A_748 = tpu.memref_slice %arg6[%dma_start3A_735, %dma_start3A_746, %dma_start3A_747] : memref<8x64x128xf32, #tpu.memory_space<vmem>> -> memref<1x64x128xf32, #tpu.memory_space<vmem>>
      %dma_start3A_749 = tpu.memref_squeeze %dma_start3A_748 : memref<1x64x128xf32, #tpu.memory_space<vmem>> -> memref<64x128xf32, #tpu.memory_space<vmem>>
      tpu.enqueue_dma source(%dma_start3A_749 : memref<64x128xf32, #tpu.memory_space<vmem>>) target(%dma_start3A_745 : memref<64x128xf32, #tpu.memory_space<hbm>>) target_semaphore(%arg21 : memref<!tpu.dma_semaphore, #tpu.memory_space<semaphore_mem>>)
      %add3A_750 = arith.constant 2 : i32
      %add3A_751 = arith.addi %mul3A_475, %add3A_750 : i32
      %dma_wait3A_752 = arith.constant 2 : i32
      %dma_wait3A_753 = arith.constant 0 : i32
      %dma_wait3A_754 = arith.constant 0 : i32
      %dma_wait3A_755 = arith.constant 0 : i32
      %dma_wait3A_756 = tpu.memref_slice %arg6[%dma_wait3A_752, %dma_wait3A_754, %dma_wait3A_755] : memref<8x64x128xf32, #tpu.memory_space<vmem>> -> memref<1x64x128xf32, #tpu.memory_space<vmem>>
      %dma_wait3A_757 = tpu.memref_squeeze %dma_wait3A_756 : memref<1x64x128xf32, #tpu.memory_space<vmem>> -> memref<64x128xf32, #tpu.memory_space<vmem>>
      %dma_wait3A_758 = arith.constant 0 : i32
      %dma_wait3A_759 = tpu.memref_slice %arg4[%dma_wait3A_753, %mul3A_2, %dma_wait3A_758] : memref<100x4096x128xf32, #tpu.memory_space<hbm>> -> memref<1x64x128xf32, #tpu.memory_space<hbm>>
      %dma_wait3A_760 = tpu.memref_squeeze %dma_wait3A_759 : memref<1x64x128xf32, #tpu.memory_space<hbm>> -> memref<64x128xf32, #tpu.memory_space<hbm>>
      %dma_wait3A_761 = arith.constant 0 : i32
      %dma_wait3A_762 = tpu.memref_slice %arg4[%dma_wait3A_753, %mul3A_2, %dma_wait3A_761] : memref<100x4096x128xf32, #tpu.memory_space<hbm>> -> memref<1x64x128xf32, #tpu.memory_space<hbm>>
      %dma_wait3A_763 = tpu.memref_squeeze %dma_wait3A_762 : memref<1x64x128xf32, #tpu.memory_space<hbm>> -> memref<64x128xf32, #tpu.memory_space<hbm>>
      %dma_wait3A_764 = arith.constant 0 : i32
      %dma_wait3A_765 = arith.constant 0 : i32
      %dma_wait3A_766 = tpu.memref_slice %arg6[%dma_wait3A_752, %dma_wait3A_764, %dma_wait3A_765] : memref<8x64x128xf32, #tpu.memory_space<vmem>> -> memref<1x64x128xf32, #tpu.memory_space<vmem>>
      %dma_wait3A_767 = tpu.memref_squeeze %dma_wait3A_766 : memref<1x64x128xf32, #tpu.memory_space<vmem>> -> memref<64x128xf32, #tpu.memory_space<vmem>>
      tpu.wait_dma2 semaphore(%arg17 : memref<!tpu.dma_semaphore, #tpu.memory_space<semaphore_mem>>) src(%dma_wait3A_767 : memref<64x128xf32, #tpu.memory_space<vmem>>) dst(%dma_wait3A_763 : memref<64x128xf32, #tpu.memory_space<hbm>>)
      %jit3A_768 = arith.constant 2 : i32
      %div3A_769 = arith.divsi %add3A_751, %jit3A_768 : i32
      %sign3A_770 = arith.constant 0 : i32
      %sign3A_771 = arith.cmpi sgt, %add3A_751, %sign3A_770 : i32
      %sign3A_772 = arith.extui %sign3A_771 : i1 to i32
      %sign3A_773 = arith.constant 0 : i32
      %sign3A_774 = arith.cmpi slt, %add3A_751, %sign3A_773 : i32
      %sign3A_775 = arith.extui %sign3A_774 : i1 to i32
      %sign3A_776 = arith.subi %sign3A_772, %sign3A_775 : i32
      %sign3A_777 = arith.constant 0 : i32
      %sign3A_778 = arith.cmpi sgt, %jit3A_768, %sign3A_777 : i32
      %sign3A_779 = arith.extui %sign3A_778 : i1 to i32
      %sign3A_780 = arith.constant 0 : i32
      %sign3A_781 = arith.cmpi slt, %jit3A_768, %sign3A_780 : i32
      %sign3A_782 = arith.extui %sign3A_781 : i1 to i32
      %sign3A_783 = arith.subi %sign3A_779, %sign3A_782 : i32
      %ne3A_784 = arith.cmpi ne, %sign3A_776, %sign3A_783 : i32
      %rem3A_785 = arith.remsi %add3A_751, %jit3A_768 : i32
      %ne3A_786 = arith.constant 0 : i32
      %ne3A_787 = arith.cmpi ne, %rem3A_785, %ne3A_786 : i32
      %and3A_788 = arith.andi %ne3A_784, %ne3A_787 : i1
      %sub3A_789 = arith.constant 1 : i32
      %sub3A_790 = arith.subi %div3A_769, %sub3A_789 : i32
      %select_n3A_791 = arith.select %and3A_788, %sub3A_790, %div3A_769 : i32
      %jit3A_792 = arith.constant 2 : i32
      %eq3A_793 = arith.constant 0 : i32
      %eq3A_794 = arith.cmpi eq, %jit3A_792, %eq3A_793 : i32
      %jit3A_795 = arith.constant 1 : i32
      %select_n3A_796 = arith.select %eq3A_794, %jit3A_795, %jit3A_792 : i32
      %rem3A_797 = arith.remsi %add3A_751, %select_n3A_796 : i32
      %ne3A_798 = arith.constant 0 : i32
      %ne3A_799 = arith.cmpi ne, %rem3A_797, %ne3A_798 : i32
      %lt3A_800 = arith.constant 0 : i32
      %lt3A_801 = arith.cmpi slt, %rem3A_797, %lt3A_800 : i32
      %lt3A_802 = arith.constant 0 : i32
      %lt3A_803 = arith.cmpi slt, %select_n3A_796, %lt3A_802 : i32
      %ne3A_804 = arith.xori %lt3A_801, %lt3A_803 : i1
      %and3A_805 = arith.andi %ne3A_804, %ne3A_799 : i1
      %add3A_806 = arith.addi %rem3A_797, %select_n3A_796 : i32
      %select_n3A_807 = arith.select %and3A_805, %add3A_806, %rem3A_797 : i32
      %mul3A_808 = arith.constant 64 : i32
      %mul3A_809 = arith.muli %select_n3A_807, %mul3A_808 : i32
      %dma_start3A_810 = arith.constant 2 : i32
      %dma_start3A_811 = arith.constant 0 : i32
      %dma_start3A_812 = arith.constant 0 : i32
      %dma_start3A_813 = tpu.memref_slice %arg6[%dma_start3A_810, %dma_start3A_811, %dma_start3A_812] : memref<8x64x128xf32, #tpu.memory_space<vmem>> -> memref<1x64x128xf32, #tpu.memory_space<vmem>>
      %dma_start3A_814 = tpu.memref_squeeze %dma_start3A_813 : memref<1x64x128xf32, #tpu.memory_space<vmem>> -> memref<64x128xf32, #tpu.memory_space<vmem>>
      %dma_start3A_815 = tpu.memref_slice %arg5[%select_n3A_791, %mul3A_809] : memref<100x128xi32, #tpu.memory_space<vmem>> -> memref<1x64xi32, #tpu.memory_space<vmem>>
      %dma_start3A_816 = tpu.memref_squeeze %dma_start3A_815 : memref<1x64xi32, #tpu.memory_space<vmem>> -> memref<64xi32, #tpu.memory_space<vmem>>
      %dma_start3A_817 = arith.constant 0 : i32
      %dma_start3A_818 = arith.constant 0 : i32
      %dma_start3A_819 = tpu.memref_slice %arg3[%dma_start3A_817, %dma_start3A_818] : memref<100000x128xf32, #tpu.memory_space<hbm>> -> memref<100000x128xf32, #tpu.memory_space<hbm>>
      tpu.enqueue_indirect_dma source(%dma_start3A_819 : memref<100000x128xf32, #tpu.memory_space<hbm>>) target(%dma_start3A_814 : memref<64x128xf32, #tpu.memory_space<vmem>>) offsets(%dma_start3A_816 : memref<64xi32, #tpu.memory_space<vmem>>) semaphore(%arg9 : memref<!tpu.dma_semaphore, #tpu.memory_space<semaphore_mem>>)
      %dma_wait3A_820 = arith.constant 0 : i32
      %dma_wait3A_821 = arith.constant 7 : i32
      %dma_wait3A_822 = arith.constant 0 : i32
      %dma_wait3A_823 = arith.constant 0 : i32
      %dma_wait3A_824 = tpu.memref_slice %arg6[%dma_wait3A_821, %dma_wait3A_822, %dma_wait3A_823] : memref<8x64x128xf32, #tpu.memory_space<vmem>> -> memref<1x64x128xf32, #tpu.memory_space<vmem>>
      %dma_wait3A_825 = tpu.memref_squeeze %dma_wait3A_824 : memref<1x64x128xf32, #tpu.memory_space<vmem>> -> memref<64x128xf32, #tpu.memory_space<vmem>>
      %dma_wait3A_826 = arith.constant 0 : i32
      %dma_wait3A_827 = tpu.memref_slice %arg5[%dma_wait3A_820, %dma_wait3A_826] : memref<100x128xi32, #tpu.memory_space<vmem>> -> memref<1x64xi32, #tpu.memory_space<vmem>>
      %dma_wait3A_828 = tpu.memref_squeeze %dma_wait3A_827 : memref<1x64xi32, #tpu.memory_space<vmem>> -> memref<64xi32, #tpu.memory_space<vmem>>
      %dma_wait3A_829 = arith.constant 0 : i32
      %dma_wait3A_830 = arith.constant 0 : i32
      %dma_wait3A_831 = tpu.memref_slice %arg3[%dma_wait3A_829, %dma_wait3A_830] : memref<100000x128xf32, #tpu.memory_space<hbm>> -> memref<100000x128xf32, #tpu.memory_space<hbm>>
      tpu.wait_indirect_dma semaphore(%arg14 : memref<!tpu.dma_semaphore, #tpu.memory_space<semaphore_mem>>) src(%dma_wait3A_831 : memref<100000x128xf32, #tpu.memory_space<hbm>>) dst(%dma_wait3A_825 : memref<64x128xf32, #tpu.memory_space<vmem>>)
      %sub3A_832 = arith.constant 3 : i32
      %sub3A_833 = arith.subi %add3A_751, %sub3A_832 : i32
      %jit3A_834 = arith.constant 2 : i32
      %div3A_835 = arith.divsi %sub3A_833, %jit3A_834 : i32
      %sign3A_836 = arith.constant 0 : i32
      %sign3A_837 = arith.cmpi sgt, %sub3A_833, %sign3A_836 : i32
      %sign3A_838 = arith.extui %sign3A_837 : i1 to i32
      %sign3A_839 = arith.constant 0 : i32
      %sign3A_840 = arith.cmpi slt, %sub3A_833, %sign3A_839 : i32
      %sign3A_841 = arith.extui %sign3A_840 : i1 to i32
      %sign3A_842 = arith.subi %sign3A_838, %sign3A_841 : i32
      %sign3A_843 = arith.constant 0 : i32
      %sign3A_844 = arith.cmpi sgt, %jit3A_834, %sign3A_843 : i32
      %sign3A_845 = arith.extui %sign3A_844 : i1 to i32
      %sign3A_846 = arith.constant 0 : i32
      %sign3A_847 = arith.cmpi slt, %jit3A_834, %sign3A_846 : i32
      %sign3A_848 = arith.extui %sign3A_847 : i1 to i32
      %sign3A_849 = arith.subi %sign3A_845, %sign3A_848 : i32
      %ne3A_850 = arith.cmpi ne, %sign3A_842, %sign3A_849 : i32
      %rem3A_851 = arith.remsi %sub3A_833, %jit3A_834 : i32
      %ne3A_852 = arith.constant 0 : i32
      %ne3A_853 = arith.cmpi ne, %rem3A_851, %ne3A_852 : i32
      %and3A_854 = arith.andi %ne3A_850, %ne3A_853 : i1
      %sub3A_855 = arith.constant 1 : i32
      %sub3A_856 = arith.subi %div3A_835, %sub3A_855 : i32
      %select_n3A_857 = arith.select %and3A_854, %sub3A_856, %div3A_835 : i32
      %jit3A_858 = arith.constant 2 : i32
      %eq3A_859 = arith.constant 0 : i32
      %eq3A_860 = arith.cmpi eq, %jit3A_858, %eq3A_859 : i32
      %jit3A_861 = arith.constant 1 : i32
      %select_n3A_862 = arith.select %eq3A_860, %jit3A_861, %jit3A_858 : i32
      %rem3A_863 = arith.remsi %sub3A_833, %select_n3A_862 : i32
      %ne3A_864 = arith.constant 0 : i32
      %ne3A_865 = arith.cmpi ne, %rem3A_863, %ne3A_864 : i32
      %lt3A_866 = arith.constant 0 : i32
      %lt3A_867 = arith.cmpi slt, %rem3A_863, %lt3A_866 : i32
      %lt3A_868 = arith.constant 0 : i32
      %lt3A_869 = arith.cmpi slt, %select_n3A_862, %lt3A_868 : i32
      %ne3A_870 = arith.xori %lt3A_867, %lt3A_869 : i1
      %and3A_871 = arith.andi %ne3A_870, %ne3A_865 : i1
      %add3A_872 = arith.addi %rem3A_863, %select_n3A_862 : i32
      %select_n3A_873 = arith.select %and3A_871, %add3A_872, %rem3A_863 : i32
      %mul3A_874 = arith.constant 64 : i32
      %mul3A_875 = arith.muli %select_n3A_873, %mul3A_874 : i32
      %add3A_876 = arith.addi %mul3A_2, %mul3A_875 : i32
      %dma_start3A_877 = arith.constant 7 : i32
      %dma_start3A_878 = arith.constant 0 : i32
      %dma_start3A_879 = arith.constant 0 : i32
      %dma_start3A_880 = tpu.memref_slice %arg6[%dma_start3A_877, %dma_start3A_878, %dma_start3A_879] : memref<8x64x128xf32, #tpu.memory_space<vmem>> -> memref<1x64x128xf32, #tpu.memory_space<vmem>>
      %dma_start3A_881 = tpu.memref_squeeze %dma_start3A_880 : memref<1x64x128xf32, #tpu.memory_space<vmem>> -> memref<64x128xf32, #tpu.memory_space<vmem>>
      %dma_start3A_882 = arith.constant 0 : i32
      %dma_start3A_883 = tpu.memref_slice %arg4[%select_n3A_857, %add3A_876, %dma_start3A_882] : memref<100x4096x128xf32, #tpu.memory_space<hbm>> -> memref<1x64x128xf32, #tpu.memory_space<hbm>>
      %dma_start3A_884 = tpu.memref_squeeze %dma_start3A_883 : memref<1x64x128xf32, #tpu.memory_space<hbm>> -> memref<64x128xf32, #tpu.memory_space<hbm>>
      %dma_start3A_885 = arith.constant 0 : i32
      %dma_start3A_886 = tpu.memref_slice %arg4[%select_n3A_857, %add3A_876, %dma_start3A_885] : memref<100x4096x128xf32, #tpu.memory_space<hbm>> -> memref<1x64x128xf32, #tpu.memory_space<hbm>>
      %dma_start3A_887 = tpu.memref_squeeze %dma_start3A_886 : memref<1x64x128xf32, #tpu.memory_space<hbm>> -> memref<64x128xf32, #tpu.memory_space<hbm>>
      %dma_start3A_888 = arith.constant 0 : i32
      %dma_start3A_889 = arith.constant 0 : i32
      %dma_start3A_890 = tpu.memref_slice %arg6[%dma_start3A_877, %dma_start3A_888, %dma_start3A_889] : memref<8x64x128xf32, #tpu.memory_space<vmem>> -> memref<1x64x128xf32, #tpu.memory_space<vmem>>
      %dma_start3A_891 = tpu.memref_squeeze %dma_start3A_890 : memref<1x64x128xf32, #tpu.memory_space<vmem>> -> memref<64x128xf32, #tpu.memory_space<vmem>>
      tpu.enqueue_dma source(%dma_start3A_891 : memref<64x128xf32, #tpu.memory_space<vmem>>) target(%dma_start3A_887 : memref<64x128xf32, #tpu.memory_space<hbm>>) target_semaphore(%arg22 : memref<!tpu.dma_semaphore, #tpu.memory_space<semaphore_mem>>)
      %add3A_892 = arith.constant 3 : i32
      %add3A_893 = arith.addi %mul3A_475, %add3A_892 : i32
      %dma_wait3A_894 = arith.constant 3 : i32
      %dma_wait3A_895 = arith.constant 0 : i32
      %dma_wait3A_896 = arith.constant 0 : i32
      %dma_wait3A_897 = arith.constant 0 : i32
      %dma_wait3A_898 = tpu.memref_slice %arg6[%dma_wait3A_894, %dma_wait3A_896, %dma_wait3A_897] : memref<8x64x128xf32, #tpu.memory_space<vmem>> -> memref<1x64x128xf32, #tpu.memory_space<vmem>>
      %dma_wait3A_899 = tpu.memref_squeeze %dma_wait3A_898 : memref<1x64x128xf32, #tpu.memory_space<vmem>> -> memref<64x128xf32, #tpu.memory_space<vmem>>
      %dma_wait3A_900 = arith.constant 0 : i32
      %dma_wait3A_901 = tpu.memref_slice %arg4[%dma_wait3A_895, %mul3A_2, %dma_wait3A_900] : memref<100x4096x128xf32, #tpu.memory_space<hbm>> -> memref<1x64x128xf32, #tpu.memory_space<hbm>>
      %dma_wait3A_902 = tpu.memref_squeeze %dma_wait3A_901 : memref<1x64x128xf32, #tpu.memory_space<hbm>> -> memref<64x128xf32, #tpu.memory_space<hbm>>
      %dma_wait3A_903 = arith.constant 0 : i32
      %dma_wait3A_904 = tpu.memref_slice %arg4[%dma_wait3A_895, %mul3A_2, %dma_wait3A_903] : memref<100x4096x128xf32, #tpu.memory_space<hbm>> -> memref<1x64x128xf32, #tpu.memory_space<hbm>>
      %dma_wait3A_905 = tpu.memref_squeeze %dma_wait3A_904 : memref<1x64x128xf32, #tpu.memory_space<hbm>> -> memref<64x128xf32, #tpu.memory_space<hbm>>
      %dma_wait3A_906 = arith.constant 0 : i32
      %dma_wait3A_907 = arith.constant 0 : i32
      %dma_wait3A_908 = tpu.memref_slice %arg6[%dma_wait3A_894, %dma_wait3A_906, %dma_wait3A_907] : memref<8x64x128xf32, #tpu.memory_space<vmem>> -> memref<1x64x128xf32, #tpu.memory_space<vmem>>
      %dma_wait3A_909 = tpu.memref_squeeze %dma_wait3A_908 : memref<1x64x128xf32, #tpu.memory_space<vmem>> -> memref<64x128xf32, #tpu.memory_space<vmem>>
      tpu.wait_dma2 semaphore(%arg18 : memref<!tpu.dma_semaphore, #tpu.memory_space<semaphore_mem>>) src(%dma_wait3A_909 : memref<64x128xf32, #tpu.memory_space<vmem>>) dst(%dma_wait3A_905 : memref<64x128xf32, #tpu.memory_space<hbm>>)
      %jit3A_910 = arith.constant 2 : i32
      %div3A_911 = arith.divsi %add3A_893, %jit3A_910 : i32
      %sign3A_912 = arith.constant 0 : i32
      %sign3A_913 = arith.cmpi sgt, %add3A_893, %sign3A_912 : i32
      %sign3A_914 = arith.extui %sign3A_913 : i1 to i32
      %sign3A_915 = arith.constant 0 : i32
      %sign3A_916 = arith.cmpi slt, %add3A_893, %sign3A_915 : i32
      %sign3A_917 = arith.extui %sign3A_916 : i1 to i32
      %sign3A_918 = arith.subi %sign3A_914, %sign3A_917 : i32
      %sign3A_919 = arith.constant 0 : i32
      %sign3A_920 = arith.cmpi sgt, %jit3A_910, %sign3A_919 : i32
      %sign3A_921 = arith.extui %sign3A_920 : i1 to i32
      %sign3A_922 = arith.constant 0 : i32
      %sign3A_923 = arith.cmpi slt, %jit3A_910, %sign3A_922 : i32
      %sign3A_924 = arith.extui %sign3A_923 : i1 to i32
      %sign3A_925 = arith.subi %sign3A_921, %sign3A_924 : i32
      %ne3A_926 = arith.cmpi ne, %sign3A_918, %sign3A_925 : i32
      %rem3A_927 = arith.remsi %add3A_893, %jit3A_910 : i32
      %ne3A_928 = arith.constant 0 : i32
      %ne3A_929 = arith.cmpi ne, %rem3A_927, %ne3A_928 : i32
      %and3A_930 = arith.andi %ne3A_926, %ne3A_929 : i1
      %sub3A_931 = arith.constant 1 : i32
      %sub3A_932 = arith.subi %div3A_911, %sub3A_931 : i32
      %select_n3A_933 = arith.select %and3A_930, %sub3A_932, %div3A_911 : i32
      %jit3A_934 = arith.constant 2 : i32
      %eq3A_935 = arith.constant 0 : i32
      %eq3A_936 = arith.cmpi eq, %jit3A_934, %eq3A_935 : i32
      %jit3A_937 = arith.constant 1 : i32
      %select_n3A_938 = arith.select %eq3A_936, %jit3A_937, %jit3A_934 : i32
      %rem3A_939 = arith.remsi %add3A_893, %select_n3A_938 : i32
      %ne3A_940 = arith.constant 0 : i32
      %ne3A_941 = arith.cmpi ne, %rem3A_939, %ne3A_940 : i32
      %lt3A_942 = arith.constant 0 : i32
      %lt3A_943 = arith.cmpi slt, %rem3A_939, %lt3A_942 : i32
      %lt3A_944 = arith.constant 0 : i32
      %lt3A_945 = arith.cmpi slt, %select_n3A_938, %lt3A_944 : i32
      %ne3A_946 = arith.xori %lt3A_943, %lt3A_945 : i1
      %and3A_947 = arith.andi %ne3A_946, %ne3A_941 : i1
      %add3A_948 = arith.addi %rem3A_939, %select_n3A_938 : i32
      %select_n3A_949 = arith.select %and3A_947, %add3A_948, %rem3A_939 : i32
      %mul3A_950 = arith.constant 64 : i32
      %mul3A_951 = arith.muli %select_n3A_949, %mul3A_950 : i32
      %dma_start3A_952 = arith.constant 3 : i32
      %dma_start3A_953 = arith.constant 0 : i32
      %dma_start3A_954 = arith.constant 0 : i32
      %dma_start3A_955 = tpu.memref_slice %arg6[%dma_start3A_952, %dma_start3A_953, %dma_start3A_954] : memref<8x64x128xf32, #tpu.memory_space<vmem>> -> memref<1x64x128xf32, #tpu.memory_space<vmem>>
      %dma_start3A_956 = tpu.memref_squeeze %dma_start3A_955 : memref<1x64x128xf32, #tpu.memory_space<vmem>> -> memref<64x128xf32, #tpu.memory_space<vmem>>
      %dma_start3A_957 = tpu.memref_slice %arg5[%select_n3A_933, %mul3A_951] : memref<100x128xi32, #tpu.memory_space<vmem>> -> memref<1x64xi32, #tpu.memory_space<vmem>>
      %dma_start3A_958 = tpu.memref_squeeze %dma_start3A_957 : memref<1x64xi32, #tpu.memory_space<vmem>> -> memref<64xi32, #tpu.memory_space<vmem>>
      %dma_start3A_959 = arith.constant 0 : i32
      %dma_start3A_960 = arith.constant 0 : i32
      %dma_start3A_961 = tpu.memref_slice %arg3[%dma_start3A_959, %dma_start3A_960] : memref<100000x128xf32, #tpu.memory_space<hbm>> -> memref<100000x128xf32, #tpu.memory_space<hbm>>
      tpu.enqueue_indirect_dma source(%dma_start3A_961 : memref<100000x128xf32, #tpu.memory_space<hbm>>) target(%dma_start3A_956 : memref<64x128xf32, #tpu.memory_space<vmem>>) offsets(%dma_start3A_958 : memref<64xi32, #tpu.memory_space<vmem>>) semaphore(%arg10 : memref<!tpu.dma_semaphore, #tpu.memory_space<semaphore_mem>>)
      %dma_wait3A_962 = arith.constant 0 : i32
      %dma_wait3A_963 = arith.constant 0 : i32
      %dma_wait3A_964 = arith.constant 0 : i32
      %dma_wait3A_965 = arith.constant 0 : i32
      %dma_wait3A_966 = tpu.memref_slice %arg6[%dma_wait3A_963, %dma_wait3A_964, %dma_wait3A_965] : memref<8x64x128xf32, #tpu.memory_space<vmem>> -> memref<1x64x128xf32, #tpu.memory_space<vmem>>
      %dma_wait3A_967 = tpu.memref_squeeze %dma_wait3A_966 : memref<1x64x128xf32, #tpu.memory_space<vmem>> -> memref<64x128xf32, #tpu.memory_space<vmem>>
      %dma_wait3A_968 = arith.constant 0 : i32
      %dma_wait3A_969 = tpu.memref_slice %arg5[%dma_wait3A_962, %dma_wait3A_968] : memref<100x128xi32, #tpu.memory_space<vmem>> -> memref<1x64xi32, #tpu.memory_space<vmem>>
      %dma_wait3A_970 = tpu.memref_squeeze %dma_wait3A_969 : memref<1x64xi32, #tpu.memory_space<vmem>> -> memref<64xi32, #tpu.memory_space<vmem>>
      %dma_wait3A_971 = arith.constant 0 : i32
      %dma_wait3A_972 = arith.constant 0 : i32
      %dma_wait3A_973 = tpu.memref_slice %arg3[%dma_wait3A_971, %dma_wait3A_972] : memref<100000x128xf32, #tpu.memory_space<hbm>> -> memref<100000x128xf32, #tpu.memory_space<hbm>>
      tpu.wait_indirect_dma semaphore(%arg7 : memref<!tpu.dma_semaphore, #tpu.memory_space<semaphore_mem>>) src(%dma_wait3A_973 : memref<100000x128xf32, #tpu.memory_space<hbm>>) dst(%dma_wait3A_967 : memref<64x128xf32, #tpu.memory_space<vmem>>)
      %sub3A_974 = arith.constant 3 : i32
      %sub3A_975 = arith.subi %add3A_893, %sub3A_974 : i32
      %jit3A_976 = arith.constant 2 : i32
      %div3A_977 = arith.divsi %sub3A_975, %jit3A_976 : i32
      %sign3A_978 = arith.constant 0 : i32
      %sign3A_979 = arith.cmpi sgt, %sub3A_975, %sign3A_978 : i32
      %sign3A_980 = arith.extui %sign3A_979 : i1 to i32
      %sign3A_981 = arith.constant 0 : i32
      %sign3A_982 = arith.cmpi slt, %sub3A_975, %sign3A_981 : i32
      %sign3A_983 = arith.extui %sign3A_982 : i1 to i32
      %sign3A_984 = arith.subi %sign3A_980, %sign3A_983 : i32
      %sign3A_985 = arith.constant 0 : i32
      %sign3A_986 = arith.cmpi sgt, %jit3A_976, %sign3A_985 : i32
      %sign3A_987 = arith.extui %sign3A_986 : i1 to i32
      %sign3A_988 = arith.constant 0 : i32
      %sign3A_989 = arith.cmpi slt, %jit3A_976, %sign3A_988 : i32
      %sign3A_990 = arith.extui %sign3A_989 : i1 to i32
      %sign3A_991 = arith.subi %sign3A_987, %sign3A_990 : i32
      %ne3A_992 = arith.cmpi ne, %sign3A_984, %sign3A_991 : i32
      %rem3A_993 = arith.remsi %sub3A_975, %jit3A_976 : i32
      %ne3A_994 = arith.constant 0 : i32
      %ne3A_995 = arith.cmpi ne, %rem3A_993, %ne3A_994 : i32
      %and3A_996 = arith.andi %ne3A_992, %ne3A_995 : i1
      %sub3A_997 = arith.constant 1 : i32
      %sub3A_998 = arith.subi %div3A_977, %sub3A_997 : i32
      %select_n3A_999 = arith.select %and3A_996, %sub3A_998, %div3A_977 : i32
      %jit3A_1000 = arith.constant 2 : i32
      %eq3A_1001 = arith.constant 0 : i32
      %eq3A_1002 = arith.cmpi eq, %jit3A_1000, %eq3A_1001 : i32
      %jit3A_1003 = arith.constant 1 : i32
      %select_n3A_1004 = arith.select %eq3A_1002, %jit3A_1003, %jit3A_1000 : i32
      %rem3A_1005 = arith.remsi %sub3A_975, %select_n3A_1004 : i32
      %ne3A_1006 = arith.constant 0 : i32
      %ne3A_1007 = arith.cmpi ne, %rem3A_1005, %ne3A_1006 : i32
      %lt3A_1008 = arith.constant 0 : i32
      %lt3A_1009 = arith.cmpi slt, %rem3A_1005, %lt3A_1008 : i32
      %lt3A_1010 = arith.constant 0 : i32
      %lt3A_1011 = arith.cmpi slt, %select_n3A_1004, %lt3A_1010 : i32
      %ne3A_1012 = arith.xori %lt3A_1009, %lt3A_1011 : i1
      %and3A_1013 = arith.andi %ne3A_1012, %ne3A_1007 : i1
      %add3A_1014 = arith.addi %rem3A_1005, %select_n3A_1004 : i32
      %select_n3A_1015 = arith.select %and3A_1013, %add3A_1014, %rem3A_1005 : i32
      %mul3A_1016 = arith.constant 64 : i32
      %mul3A_1017 = arith.muli %select_n3A_1015, %mul3A_1016 : i32
      %add3A_1018 = arith.addi %mul3A_2, %mul3A_1017 : i32
      %dma_start3A_1019 = arith.constant 0 : i32
      %dma_start3A_1020 = arith.constant 0 : i32
      %dma_start3A_1021 = arith.constant 0 : i32
      %dma_start3A_1022 = tpu.memref_slice %arg6[%dma_start3A_1019, %dma_start3A_1020, %dma_start3A_1021] : memref<8x64x128xf32, #tpu.memory_space<vmem>> -> memref<1x64x128xf32, #tpu.memory_space<vmem>>
      %dma_start3A_1023 = tpu.memref_squeeze %dma_start3A_1022 : memref<1x64x128xf32, #tpu.memory_space<vmem>> -> memref<64x128xf32, #tpu.memory_space<vmem>>
      %dma_start3A_1024 = arith.constant 0 : i32
      %dma_start3A_1025 = tpu.memref_slice %arg4[%select_n3A_999, %add3A_1018, %dma_start3A_1024] : memref<100x4096x128xf32, #tpu.memory_space<hbm>> -> memref<1x64x128xf32, #tpu.memory_space<hbm>>
      %dma_start3A_1026 = tpu.memref_squeeze %dma_start3A_1025 : memref<1x64x128xf32, #tpu.memory_space<hbm>> -> memref<64x128xf32, #tpu.memory_space<hbm>>
      %dma_start3A_1027 = arith.constant 0 : i32
      %dma_start3A_1028 = tpu.memref_slice %arg4[%select_n3A_999, %add3A_1018, %dma_start3A_1027] : memref<100x4096x128xf32, #tpu.memory_space<hbm>> -> memref<1x64x128xf32, #tpu.memory_space<hbm>>
      %dma_start3A_1029 = tpu.memref_squeeze %dma_start3A_1028 : memref<1x64x128xf32, #tpu.memory_space<hbm>> -> memref<64x128xf32, #tpu.memory_space<hbm>>
      %dma_start3A_1030 = arith.constant 0 : i32
      %dma_start3A_1031 = arith.constant 0 : i32
      %dma_start3A_1032 = tpu.memref_slice %arg6[%dma_start3A_1019, %dma_start3A_1030, %dma_start3A_1031] : memref<8x64x128xf32, #tpu.memory_space<vmem>> -> memref<1x64x128xf32, #tpu.memory_space<vmem>>
      %dma_start3A_1033 = tpu.memref_squeeze %dma_start3A_1032 : memref<1x64x128xf32, #tpu.memory_space<vmem>> -> memref<64x128xf32, #tpu.memory_space<vmem>>
      tpu.enqueue_dma source(%dma_start3A_1033 : memref<64x128xf32, #tpu.memory_space<vmem>>) target(%dma_start3A_1029 : memref<64x128xf32, #tpu.memory_space<hbm>>) target_semaphore(%arg15 : memref<!tpu.dma_semaphore, #tpu.memory_space<semaphore_mem>>)
      %add3A_1034 = arith.constant 4 : i32
      %add3A_1035 = arith.addi %mul3A_475, %add3A_1034 : i32
      %dma_wait3A_1036 = arith.constant 4 : i32
      %dma_wait3A_1037 = arith.constant 0 : i32
      %dma_wait3A_1038 = arith.constant 0 : i32
      %dma_wait3A_1039 = arith.constant 0 : i32
      %dma_wait3A_1040 = tpu.memref_slice %arg6[%dma_wait3A_1036, %dma_wait3A_1038, %dma_wait3A_1039] : memref<8x64x128xf32, #tpu.memory_space<vmem>> -> memref<1x64x128xf32, #tpu.memory_space<vmem>>
      %dma_wait3A_1041 = tpu.memref_squeeze %dma_wait3A_1040 : memref<1x64x128xf32, #tpu.memory_space<vmem>> -> memref<64x128xf32, #tpu.memory_space<vmem>>
      %dma_wait3A_1042 = arith.constant 0 : i32
      %dma_wait3A_1043 = tpu.memref_slice %arg4[%dma_wait3A_1037, %mul3A_2, %dma_wait3A_1042] : memref<100x4096x128xf32, #tpu.memory_space<hbm>> -> memref<1x64x128xf32, #tpu.memory_space<hbm>>
      %dma_wait3A_1044 = tpu.memref_squeeze %dma_wait3A_1043 : memref<1x64x128xf32, #tpu.memory_space<hbm>> -> memref<64x128xf32, #tpu.memory_space<hbm>>
      %dma_wait3A_1045 = arith.constant 0 : i32
      %dma_wait3A_1046 = tpu.memref_slice %arg4[%dma_wait3A_1037, %mul3A_2, %dma_wait3A_1045] : memref<100x4096x128xf32, #tpu.memory_space<hbm>> -> memref<1x64x128xf32, #tpu.memory_space<hbm>>
      %dma_wait3A_1047 = tpu.memref_squeeze %dma_wait3A_1046 : memref<1x64x128xf32, #tpu.memory_space<hbm>> -> memref<64x128xf32, #tpu.memory_space<hbm>>
      %dma_wait3A_1048 = arith.constant 0 : i32
      %dma_wait3A_1049 = arith.constant 0 : i32
      %dma_wait3A_1050 = tpu.memref_slice %arg6[%dma_wait3A_1036, %dma_wait3A_1048, %dma_wait3A_1049] : memref<8x64x128xf32, #tpu.memory_space<vmem>> -> memref<1x64x128xf32, #tpu.memory_space<vmem>>
      %dma_wait3A_1051 = tpu.memref_squeeze %dma_wait3A_1050 : memref<1x64x128xf32, #tpu.memory_space<vmem>> -> memref<64x128xf32, #tpu.memory_space<vmem>>
      tpu.wait_dma2 semaphore(%arg19 : memref<!tpu.dma_semaphore, #tpu.memory_space<semaphore_mem>>) src(%dma_wait3A_1051 : memref<64x128xf32, #tpu.memory_space<vmem>>) dst(%dma_wait3A_1047 : memref<64x128xf32, #tpu.memory_space<hbm>>)
      %jit3A_1052 = arith.constant 2 : i32
      %div3A_1053 = arith.divsi %add3A_1035, %jit3A_1052 : i32
      %sign3A_1054 = arith.constant 0 : i32
      %sign3A_1055 = arith.cmpi sgt, %add3A_1035, %sign3A_1054 : i32
      %sign3A_1056 = arith.extui %sign3A_1055 : i1 to i32
      %sign3A_1057 = arith.constant 0 : i32
      %sign3A_1058 = arith.cmpi slt, %add3A_1035, %sign3A_1057 : i32
      %sign3A_1059 = arith.extui %sign3A_1058 : i1 to i32
      %sign3A_1060 = arith.subi %sign3A_1056, %sign3A_1059 : i32
      %sign3A_1061 = arith.constant 0 : i32
      %sign3A_1062 = arith.cmpi sgt, %jit3A_1052, %sign3A_1061 : i32
      %sign3A_1063 = arith.extui %sign3A_1062 : i1 to i32
      %sign3A_1064 = arith.constant 0 : i32
      %sign3A_1065 = arith.cmpi slt, %jit3A_1052, %sign3A_1064 : i32
      %sign3A_1066 = arith.extui %sign3A_1065 : i1 to i32
      %sign3A_1067 = arith.subi %sign3A_1063, %sign3A_1066 : i32
      %ne3A_1068 = arith.cmpi ne, %sign3A_1060, %sign3A_1067 : i32
      %rem3A_1069 = arith.remsi %add3A_1035, %jit3A_1052 : i32
      %ne3A_1070 = arith.constant 0 : i32
      %ne3A_1071 = arith.cmpi ne, %rem3A_1069, %ne3A_1070 : i32
      %and3A_1072 = arith.andi %ne3A_1068, %ne3A_1071 : i1
      %sub3A_1073 = arith.constant 1 : i32
      %sub3A_1074 = arith.subi %div3A_1053, %sub3A_1073 : i32
      %select_n3A_1075 = arith.select %and3A_1072, %sub3A_1074, %div3A_1053 : i32
      %jit3A_1076 = arith.constant 2 : i32
      %eq3A_1077 = arith.constant 0 : i32
      %eq3A_1078 = arith.cmpi eq, %jit3A_1076, %eq3A_1077 : i32
      %jit3A_1079 = arith.constant 1 : i32
      %select_n3A_1080 = arith.select %eq3A_1078, %jit3A_1079, %jit3A_1076 : i32
      %rem3A_1081 = arith.remsi %add3A_1035, %select_n3A_1080 : i32
      %ne3A_1082 = arith.constant 0 : i32
      %ne3A_1083 = arith.cmpi ne, %rem3A_1081, %ne3A_1082 : i32
      %lt3A_1084 = arith.constant 0 : i32
      %lt3A_1085 = arith.cmpi slt, %rem3A_1081, %lt3A_1084 : i32
      %lt3A_1086 = arith.constant 0 : i32
      %lt3A_1087 = arith.cmpi slt, %select_n3A_1080, %lt3A_1086 : i32
      %ne3A_1088 = arith.xori %lt3A_1085, %lt3A_1087 : i1
      %and3A_1089 = arith.andi %ne3A_1088, %ne3A_1083 : i1
      %add3A_1090 = arith.addi %rem3A_1081, %select_n3A_1080 : i32
      %select_n3A_1091 = arith.select %and3A_1089, %add3A_1090, %rem3A_1081 : i32
      %mul3A_1092 = arith.constant 64 : i32
      %mul3A_1093 = arith.muli %select_n3A_1091, %mul3A_1092 : i32
      %dma_start3A_1094 = arith.constant 4 : i32
      %dma_start3A_1095 = arith.constant 0 : i32
      %dma_start3A_1096 = arith.constant 0 : i32
      %dma_start3A_1097 = tpu.memref_slice %arg6[%dma_start3A_1094, %dma_start3A_1095, %dma_start3A_1096] : memref<8x64x128xf32, #tpu.memory_space<vmem>> -> memref<1x64x128xf32, #tpu.memory_space<vmem>>
      %dma_start3A_1098 = tpu.memref_squeeze %dma_start3A_1097 : memref<1x64x128xf32, #tpu.memory_space<vmem>> -> memref<64x128xf32, #tpu.memory_space<vmem>>
      %dma_start3A_1099 = tpu.memref_slice %arg5[%select_n3A_1075, %mul3A_1093] : memref<100x128xi32, #tpu.memory_space<vmem>> -> memref<1x64xi32, #tpu.memory_space<vmem>>
      %dma_start3A_1100 = tpu.memref_squeeze %dma_start3A_1099 : memref<1x64xi32, #tpu.memory_space<vmem>> -> memref<64xi32, #tpu.memory_space<vmem>>
      %dma_start3A_1101 = arith.constant 0 : i32
      %dma_start3A_1102 = arith.constant 0 : i32
      %dma_start3A_1103 = tpu.memref_slice %arg3[%dma_start3A_1101, %dma_start3A_1102] : memref<100000x128xf32, #tpu.memory_space<hbm>> -> memref<100000x128xf32, #tpu.memory_space<hbm>>
      tpu.enqueue_indirect_dma source(%dma_start3A_1103 : memref<100000x128xf32, #tpu.memory_space<hbm>>) target(%dma_start3A_1098 : memref<64x128xf32, #tpu.memory_space<vmem>>) offsets(%dma_start3A_1100 : memref<64xi32, #tpu.memory_space<vmem>>) semaphore(%arg11 : memref<!tpu.dma_semaphore, #tpu.memory_space<semaphore_mem>>)
      %dma_wait3A_1104 = arith.constant 0 : i32
      %dma_wait3A_1105 = arith.constant 1 : i32
      %dma_wait3A_1106 = arith.constant 0 : i32
      %dma_wait3A_1107 = arith.constant 0 : i32
      %dma_wait3A_1108 = tpu.memref_slice %arg6[%dma_wait3A_1105, %dma_wait3A_1106, %dma_wait3A_1107] : memref<8x64x128xf32, #tpu.memory_space<vmem>> -> memref<1x64x128xf32, #tpu.memory_space<vmem>>
      %dma_wait3A_1109 = tpu.memref_squeeze %dma_wait3A_1108 : memref<1x64x128xf32, #tpu.memory_space<vmem>> -> memref<64x128xf32, #tpu.memory_space<vmem>>
      %dma_wait3A_1110 = arith.constant 0 : i32
      %dma_wait3A_1111 = tpu.memref_slice %arg5[%dma_wait3A_1104, %dma_wait3A_1110] : memref<100x128xi32, #tpu.memory_space<vmem>> -> memref<1x64xi32, #tpu.memory_space<vmem>>
      %dma_wait3A_1112 = tpu.memref_squeeze %dma_wait3A_1111 : memref<1x64xi32, #tpu.memory_space<vmem>> -> memref<64xi32, #tpu.memory_space<vmem>>
      %dma_wait3A_1113 = arith.constant 0 : i32
      %dma_wait3A_1114 = arith.constant 0 : i32
      %dma_wait3A_1115 = tpu.memref_slice %arg3[%dma_wait3A_1113, %dma_wait3A_1114] : memref<100000x128xf32, #tpu.memory_space<hbm>> -> memref<100000x128xf32, #tpu.memory_space<hbm>>
      tpu.wait_indirect_dma semaphore(%arg8 : memref<!tpu.dma_semaphore, #tpu.memory_space<semaphore_mem>>) src(%dma_wait3A_1115 : memref<100000x128xf32, #tpu.memory_space<hbm>>) dst(%dma_wait3A_1109 : memref<64x128xf32, #tpu.memory_space<vmem>>)
      %sub3A_1116 = arith.constant 3 : i32
      %sub3A_1117 = arith.subi %add3A_1035, %sub3A_1116 : i32
      %jit3A_1118 = arith.constant 2 : i32
      %div3A_1119 = arith.divsi %sub3A_1117, %jit3A_1118 : i32
      %sign3A_1120 = arith.constant 0 : i32
      %sign3A_1121 = arith.cmpi sgt, %sub3A_1117, %sign3A_1120 : i32
      %sign3A_1122 = arith.extui %sign3A_1121 : i1 to i32
      %sign3A_1123 = arith.constant 0 : i32
      %sign3A_1124 = arith.cmpi slt, %sub3A_1117, %sign3A_1123 : i32
      %sign3A_1125 = arith.extui %sign3A_1124 : i1 to i32
      %sign3A_1126 = arith.subi %sign3A_1122, %sign3A_1125 : i32
      %sign3A_1127 = arith.constant 0 : i32
      %sign3A_1128 = arith.cmpi sgt, %jit3A_1118, %sign3A_1127 : i32
      %sign3A_1129 = arith.extui %sign3A_1128 : i1 to i32
      %sign3A_1130 = arith.constant 0 : i32
      %sign3A_1131 = arith.cmpi slt, %jit3A_1118, %sign3A_1130 : i32
      %sign3A_1132 = arith.extui %sign3A_1131 : i1 to i32
      %sign3A_1133 = arith.subi %sign3A_1129, %sign3A_1132 : i32
      %ne3A_1134 = arith.cmpi ne, %sign3A_1126, %sign3A_1133 : i32
      %rem3A_1135 = arith.remsi %sub3A_1117, %jit3A_1118 : i32
      %ne3A_1136 = arith.constant 0 : i32
      %ne3A_1137 = arith.cmpi ne, %rem3A_1135, %ne3A_1136 : i32
      %and3A_1138 = arith.andi %ne3A_1134, %ne3A_1137 : i1
      %sub3A_1139 = arith.constant 1 : i32
      %sub3A_1140 = arith.subi %div3A_1119, %sub3A_1139 : i32
      %select_n3A_1141 = arith.select %and3A_1138, %sub3A_1140, %div3A_1119 : i32
      %jit3A_1142 = arith.constant 2 : i32
      %eq3A_1143 = arith.constant 0 : i32
      %eq3A_1144 = arith.cmpi eq, %jit3A_1142, %eq3A_1143 : i32
      %jit3A_1145 = arith.constant 1 : i32
      %select_n3A_1146 = arith.select %eq3A_1144, %jit3A_1145, %jit3A_1142 : i32
      %rem3A_1147 = arith.remsi %sub3A_1117, %select_n3A_1146 : i32
      %ne3A_1148 = arith.constant 0 : i32
      %ne3A_1149 = arith.cmpi ne, %rem3A_1147, %ne3A_1148 : i32
      %lt3A_1150 = arith.constant 0 : i32
      %lt3A_1151 = arith.cmpi slt, %rem3A_1147, %lt3A_1150 : i32
      %lt3A_1152 = arith.constant 0 : i32
      %lt3A_1153 = arith.cmpi slt, %select_n3A_1146, %lt3A_1152 : i32
      %ne3A_1154 = arith.xori %lt3A_1151, %lt3A_1153 : i1
      %and3A_1155 = arith.andi %ne3A_1154, %ne3A_1149 : i1
      %add3A_1156 = arith.addi %rem3A_1147, %select_n3A_1146 : i32
      %select_n3A_1157 = arith.select %and3A_1155, %add3A_1156, %rem3A_1147 : i32
      %mul3A_1158 = arith.constant 64 : i32
      %mul3A_1159 = arith.muli %select_n3A_1157, %mul3A_1158 : i32
      %add3A_1160 = arith.addi %mul3A_2, %mul3A_1159 : i32
      %dma_start3A_1161 = arith.constant 1 : i32
      %dma_start3A_1162 = arith.constant 0 : i32
      %dma_start3A_1163 = arith.constant 0 : i32
      %dma_start3A_1164 = tpu.memref_slice %arg6[%dma_start3A_1161, %dma_start3A_1162, %dma_start3A_1163] : memref<8x64x128xf32, #tpu.memory_space<vmem>> -> memref<1x64x128xf32, #tpu.memory_space<vmem>>
      %dma_start3A_1165 = tpu.memref_squeeze %dma_start3A_1164 : memref<1x64x128xf32, #tpu.memory_space<vmem>> -> memref<64x128xf32, #tpu.memory_space<vmem>>
      %dma_start3A_1166 = arith.constant 0 : i32
      %dma_start3A_1167 = tpu.memref_slice %arg4[%select_n3A_1141, %add3A_1160, %dma_start3A_1166] : memref<100x4096x128xf32, #tpu.memory_space<hbm>> -> memref<1x64x128xf32, #tpu.memory_space<hbm>>
      %dma_start3A_1168 = tpu.memref_squeeze %dma_start3A_1167 : memref<1x64x128xf32, #tpu.memory_space<hbm>> -> memref<64x128xf32, #tpu.memory_space<hbm>>
      %dma_start3A_1169 = arith.constant 0 : i32
      %dma_start3A_1170 = tpu.memref_slice %arg4[%select_n3A_1141, %add3A_1160, %dma_start3A_1169] : memref<100x4096x128xf32, #tpu.memory_space<hbm>> -> memref<1x64x128xf32, #tpu.memory_space<hbm>>
      %dma_start3A_1171 = tpu.memref_squeeze %dma_start3A_1170 : memref<1x64x128xf32, #tpu.memory_space<hbm>> -> memref<64x128xf32, #tpu.memory_space<hbm>>
      %dma_start3A_1172 = arith.constant 0 : i32
      %dma_start3A_1173 = arith.constant 0 : i32
      %dma_start3A_1174 = tpu.memref_slice %arg6[%dma_start3A_1161, %dma_start3A_1172, %dma_start3A_1173] : memref<8x64x128xf32, #tpu.memory_space<vmem>> -> memref<1x64x128xf32, #tpu.memory_space<vmem>>
      %dma_start3A_1175 = tpu.memref_squeeze %dma_start3A_1174 : memref<1x64x128xf32, #tpu.memory_space<vmem>> -> memref<64x128xf32, #tpu.memory_space<vmem>>
      tpu.enqueue_dma source(%dma_start3A_1175 : memref<64x128xf32, #tpu.memory_space<vmem>>) target(%dma_start3A_1171 : memref<64x128xf32, #tpu.memory_space<hbm>>) target_semaphore(%arg16 : memref<!tpu.dma_semaphore, #tpu.memory_space<semaphore_mem>>)
      %add3A_1176 = arith.constant 5 : i32
      %add3A_1177 = arith.addi %mul3A_475, %add3A_1176 : i32
      %dma_wait3A_1178 = arith.constant 5 : i32
      %dma_wait3A_1179 = arith.constant 0 : i32
      %dma_wait3A_1180 = arith.constant 0 : i32
      %dma_wait3A_1181 = arith.constant 0 : i32
      %dma_wait3A_1182 = tpu.memref_slice %arg6[%dma_wait3A_1178, %dma_wait3A_1180, %dma_wait3A_1181] : memref<8x64x128xf32, #tpu.memory_space<vmem>> -> memref<1x64x128xf32, #tpu.memory_space<vmem>>
      %dma_wait3A_1183 = tpu.memref_squeeze %dma_wait3A_1182 : memref<1x64x128xf32, #tpu.memory_space<vmem>> -> memref<64x128xf32, #tpu.memory_space<vmem>>
      %dma_wait3A_1184 = arith.constant 0 : i32
      %dma_wait3A_1185 = tpu.memref_slice %arg4[%dma_wait3A_1179, %mul3A_2, %dma_wait3A_1184] : memref<100x4096x128xf32, #tpu.memory_space<hbm>> -> memref<1x64x128xf32, #tpu.memory_space<hbm>>
      %dma_wait3A_1186 = tpu.memref_squeeze %dma_wait3A_1185 : memref<1x64x128xf32, #tpu.memory_space<hbm>> -> memref<64x128xf32, #tpu.memory_space<hbm>>
      %dma_wait3A_1187 = arith.constant 0 : i32
      %dma_wait3A_1188 = tpu.memref_slice %arg4[%dma_wait3A_1179, %mul3A_2, %dma_wait3A_1187] : memref<100x4096x128xf32, #tpu.memory_space<hbm>> -> memref<1x64x128xf32, #tpu.memory_space<hbm>>
      %dma_wait3A_1189 = tpu.memref_squeeze %dma_wait3A_1188 : memref<1x64x128xf32, #tpu.memory_space<hbm>> -> memref<64x128xf32, #tpu.memory_space<hbm>>
      %dma_wait3A_1190 = arith.constant 0 : i32
      %dma_wait3A_1191 = arith.constant 0 : i32
      %dma_wait3A_1192 = tpu.memref_slice %arg6[%dma_wait3A_1178, %dma_wait3A_1190, %dma_wait3A_1191] : memref<8x64x128xf32, #tpu.memory_space<vmem>> -> memref<1x64x128xf32, #tpu.memory_space<vmem>>
      %dma_wait3A_1193 = tpu.memref_squeeze %dma_wait3A_1192 : memref<1x64x128xf32, #tpu.memory_space<vmem>> -> memref<64x128xf32, #tpu.memory_space<vmem>>
      tpu.wait_dma2 semaphore(%arg20 : memref<!tpu.dma_semaphore, #tpu.memory_space<semaphore_mem>>) src(%dma_wait3A_1193 : memref<64x128xf32, #tpu.memory_space<vmem>>) dst(%dma_wait3A_1189 : memref<64x128xf32, #tpu.memory_space<hbm>>)
      %jit3A_1194 = arith.constant 2 : i32
      %div3A_1195 = arith.divsi %add3A_1177, %jit3A_1194 : i32
      %sign3A_1196 = arith.constant 0 : i32
      %sign3A_1197 = arith.cmpi sgt, %add3A_1177, %sign3A_1196 : i32
      %sign3A_1198 = arith.extui %sign3A_1197 : i1 to i32
      %sign3A_1199 = arith.constant 0 : i32
      %sign3A_1200 = arith.cmpi slt, %add3A_1177, %sign3A_1199 : i32
      %sign3A_1201 = arith.extui %sign3A_1200 : i1 to i32
      %sign3A_1202 = arith.subi %sign3A_1198, %sign3A_1201 : i32
      %sign3A_1203 = arith.constant 0 : i32
      %sign3A_1204 = arith.cmpi sgt, %jit3A_1194, %sign3A_1203 : i32
      %sign3A_1205 = arith.extui %sign3A_1204 : i1 to i32
      %sign3A_1206 = arith.constant 0 : i32
      %sign3A_1207 = arith.cmpi slt, %jit3A_1194, %sign3A_1206 : i32
      %sign3A_1208 = arith.extui %sign3A_1207 : i1 to i32
      %sign3A_1209 = arith.subi %sign3A_1205, %sign3A_1208 : i32
      %ne3A_1210 = arith.cmpi ne, %sign3A_1202, %sign3A_1209 : i32
      %rem3A_1211 = arith.remsi %add3A_1177, %jit3A_1194 : i32
      %ne3A_1212 = arith.constant 0 : i32
      %ne3A_1213 = arith.cmpi ne, %rem3A_1211, %ne3A_1212 : i32
      %and3A_1214 = arith.andi %ne3A_1210, %ne3A_1213 : i1
      %sub3A_1215 = arith.constant 1 : i32
      %sub3A_1216 = arith.subi %div3A_1195, %sub3A_1215 : i32
      %select_n3A_1217 = arith.select %and3A_1214, %sub3A_1216, %div3A_1195 : i32
      %jit3A_1218 = arith.constant 2 : i32
      %eq3A_1219 = arith.constant 0 : i32
      %eq3A_1220 = arith.cmpi eq, %jit3A_1218, %eq3A_1219 : i32
      %jit3A_1221 = arith.constant 1 : i32
      %select_n3A_1222 = arith.select %eq3A_1220, %jit3A_1221, %jit3A_1218 : i32
      %rem3A_1223 = arith.remsi %add3A_1177, %select_n3A_1222 : i32
      %ne3A_1224 = arith.constant 0 : i32
      %ne3A_1225 = arith.cmpi ne, %rem3A_1223, %ne3A_1224 : i32
      %lt3A_1226 = arith.constant 0 : i32
      %lt3A_1227 = arith.cmpi slt, %rem3A_1223, %lt3A_1226 : i32
      %lt3A_1228 = arith.constant 0 : i32
      %lt3A_1229 = arith.cmpi slt, %select_n3A_1222, %lt3A_1228 : i32
      %ne3A_1230 = arith.xori %lt3A_1227, %lt3A_1229 : i1
      %and3A_1231 = arith.andi %ne3A_1230, %ne3A_1225 : i1
      %add3A_1232 = arith.addi %rem3A_1223, %select_n3A_1222 : i32
      %select_n3A_1233 = arith.select %and3A_1231, %add3A_1232, %rem3A_1223 : i32
      %mul3A_1234 = arith.constant 64 : i32
      %mul3A_1235 = arith.muli %select_n3A_1233, %mul3A_1234 : i32
      %dma_start3A_1236 = arith.constant 5 : i32
      %dma_start3A_1237 = arith.constant 0 : i32
      %dma_start3A_1238 = arith.constant 0 : i32
      %dma_start3A_1239 = tpu.memref_slice %arg6[%dma_start3A_1236, %dma_start3A_1237, %dma_start3A_1238] : memref<8x64x128xf32, #tpu.memory_space<vmem>> -> memref<1x64x128xf32, #tpu.memory_space<vmem>>
      %dma_start3A_1240 = tpu.memref_squeeze %dma_start3A_1239 : memref<1x64x128xf32, #tpu.memory_space<vmem>> -> memref<64x128xf32, #tpu.memory_space<vmem>>
      %dma_start3A_1241 = tpu.memref_slice %arg5[%select_n3A_1217, %mul3A_1235] : memref<100x128xi32, #tpu.memory_space<vmem>> -> memref<1x64xi32, #tpu.memory_space<vmem>>
      %dma_start3A_1242 = tpu.memref_squeeze %dma_start3A_1241 : memref<1x64xi32, #tpu.memory_space<vmem>> -> memref<64xi32, #tpu.memory_space<vmem>>
      %dma_start3A_1243 = arith.constant 0 : i32
      %dma_start3A_1244 = arith.constant 0 : i32
      %dma_start3A_1245 = tpu.memref_slice %arg3[%dma_start3A_1243, %dma_start3A_1244] : memref<100000x128xf32, #tpu.memory_space<hbm>> -> memref<100000x128xf32, #tpu.memory_space<hbm>>
      tpu.enqueue_indirect_dma source(%dma_start3A_1245 : memref<100000x128xf32, #tpu.memory_space<hbm>>) target(%dma_start3A_1240 : memref<64x128xf32, #tpu.memory_space<vmem>>) offsets(%dma_start3A_1242 : memref<64xi32, #tpu.memory_space<vmem>>) semaphore(%arg12 : memref<!tpu.dma_semaphore, #tpu.memory_space<semaphore_mem>>)
      %dma_wait3A_1246 = arith.constant 0 : i32
      %dma_wait3A_1247 = arith.constant 2 : i32
      %dma_wait3A_1248 = arith.constant 0 : i32
      %dma_wait3A_1249 = arith.constant 0 : i32
      %dma_wait3A_1250 = tpu.memref_slice %arg6[%dma_wait3A_1247, %dma_wait3A_1248, %dma_wait3A_1249] : memref<8x64x128xf32, #tpu.memory_space<vmem>> -> memref<1x64x128xf32, #tpu.memory_space<vmem>>
      %dma_wait3A_1251 = tpu.memref_squeeze %dma_wait3A_1250 : memref<1x64x128xf32, #tpu.memory_space<vmem>> -> memref<64x128xf32, #tpu.memory_space<vmem>>
      %dma_wait3A_1252 = arith.constant 0 : i32
      %dma_wait3A_1253 = tpu.memref_slice %arg5[%dma_wait3A_1246, %dma_wait3A_1252] : memref<100x128xi32, #tpu.memory_space<vmem>> -> memref<1x64xi32, #tpu.memory_space<vmem>>
      %dma_wait3A_1254 = tpu.memref_squeeze %dma_wait3A_1253 : memref<1x64xi32, #tpu.memory_space<vmem>> -> memref<64xi32, #tpu.memory_space<vmem>>
      %dma_wait3A_1255 = arith.constant 0 : i32
      %dma_wait3A_1256 = arith.constant 0 : i32
      %dma_wait3A_1257 = tpu.memref_slice %arg3[%dma_wait3A_1255, %dma_wait3A_1256] : memref<100000x128xf32, #tpu.memory_space<hbm>> -> memref<100000x128xf32, #tpu.memory_space<hbm>>
      tpu.wait_indirect_dma semaphore(%arg9 : memref<!tpu.dma_semaphore, #tpu.memory_space<semaphore_mem>>) src(%dma_wait3A_1257 : memref<100000x128xf32, #tpu.memory_space<hbm>>) dst(%dma_wait3A_1251 : memref<64x128xf32, #tpu.memory_space<vmem>>)
      %sub3A_1258 = arith.constant 3 : i32
      %sub3A_1259 = arith.subi %add3A_1177, %sub3A_1258 : i32
      %jit3A_1260 = arith.constant 2 : i32
      %div3A_1261 = arith.divsi %sub3A_1259, %jit3A_1260 : i32
      %sign3A_1262 = arith.constant 0 : i32
      %sign3A_1263 = arith.cmpi sgt, %sub3A_1259, %sign3A_1262 : i32
      %sign3A_1264 = arith.extui %sign3A_1263 : i1 to i32
      %sign3A_1265 = arith.constant 0 : i32
      %sign3A_1266 = arith.cmpi slt, %sub3A_1259, %sign3A_1265 : i32
      %sign3A_1267 = arith.extui %sign3A_1266 : i1 to i32
      %sign3A_1268 = arith.subi %sign3A_1264, %sign3A_1267 : i32
      %sign3A_1269 = arith.constant 0 : i32
      %sign3A_1270 = arith.cmpi sgt, %jit3A_1260, %sign3A_1269 : i32
      %sign3A_1271 = arith.extui %sign3A_1270 : i1 to i32
      %sign3A_1272 = arith.constant 0 : i32
      %sign3A_1273 = arith.cmpi slt, %jit3A_1260, %sign3A_1272 : i32
      %sign3A_1274 = arith.extui %sign3A_1273 : i1 to i32
      %sign3A_1275 = arith.subi %sign3A_1271, %sign3A_1274 : i32
      %ne3A_1276 = arith.cmpi ne, %sign3A_1268, %sign3A_1275 : i32
      %rem3A_1277 = arith.remsi %sub3A_1259, %jit3A_1260 : i32
      %ne3A_1278 = arith.constant 0 : i32
      %ne3A_1279 = arith.cmpi ne, %rem3A_1277, %ne3A_1278 : i32
      %and3A_1280 = arith.andi %ne3A_1276, %ne3A_1279 : i1
      %sub3A_1281 = arith.constant 1 : i32
      %sub3A_1282 = arith.subi %div3A_1261, %sub3A_1281 : i32
      %select_n3A_1283 = arith.select %and3A_1280, %sub3A_1282, %div3A_1261 : i32
      %jit3A_1284 = arith.constant 2 : i32
      %eq3A_1285 = arith.constant 0 : i32
      %eq3A_1286 = arith.cmpi eq, %jit3A_1284, %eq3A_1285 : i32
      %jit3A_1287 = arith.constant 1 : i32
      %select_n3A_1288 = arith.select %eq3A_1286, %jit3A_1287, %jit3A_1284 : i32
      %rem3A_1289 = arith.remsi %sub3A_1259, %select_n3A_1288 : i32
      %ne3A_1290 = arith.constant 0 : i32
      %ne3A_1291 = arith.cmpi ne, %rem3A_1289, %ne3A_1290 : i32
      %lt3A_1292 = arith.constant 0 : i32
      %lt3A_1293 = arith.cmpi slt, %rem3A_1289, %lt3A_1292 : i32
      %lt3A_1294 = arith.constant 0 : i32
      %lt3A_1295 = arith.cmpi slt, %select_n3A_1288, %lt3A_1294 : i32
      %ne3A_1296 = arith.xori %lt3A_1293, %lt3A_1295 : i1
      %and3A_1297 = arith.andi %ne3A_1296, %ne3A_1291 : i1
      %add3A_1298 = arith.addi %rem3A_1289, %select_n3A_1288 : i32
      %select_n3A_1299 = arith.select %and3A_1297, %add3A_1298, %rem3A_1289 : i32
      %mul3A_1300 = arith.constant 64 : i32
      %mul3A_1301 = arith.muli %select_n3A_1299, %mul3A_1300 : i32
      %add3A_1302 = arith.addi %mul3A_2, %mul3A_1301 : i32
      %dma_start3A_1303 = arith.constant 2 : i32
      %dma_start3A_1304 = arith.constant 0 : i32
      %dma_start3A_1305 = arith.constant 0 : i32
      %dma_start3A_1306 = tpu.memref_slice %arg6[%dma_start3A_1303, %dma_start3A_1304, %dma_start3A_1305] : memref<8x64x128xf32, #tpu.memory_space<vmem>> -> memref<1x64x128xf32, #tpu.memory_space<vmem>>
      %dma_start3A_1307 = tpu.memref_squeeze %dma_start3A_1306 : memref<1x64x128xf32, #tpu.memory_space<vmem>> -> memref<64x128xf32, #tpu.memory_space<vmem>>
      %dma_start3A_1308 = arith.constant 0 : i32
      %dma_start3A_1309 = tpu.memref_slice %arg4[%select_n3A_1283, %add3A_1302, %dma_start3A_1308] : memref<100x4096x128xf32, #tpu.memory_space<hbm>> -> memref<1x64x128xf32, #tpu.memory_space<hbm>>
      %dma_start3A_1310 = tpu.memref_squeeze %dma_start3A_1309 : memref<1x64x128xf32, #tpu.memory_space<hbm>> -> memref<64x128xf32, #tpu.memory_space<hbm>>
      %dma_start3A_1311 = arith.constant 0 : i32
      %dma_start3A_1312 = tpu.memref_slice %arg4[%select_n3A_1283, %add3A_1302, %dma_start3A_1311] : memref<100x4096x128xf32, #tpu.memory_space<hbm>> -> memref<1x64x128xf32, #tpu.memory_space<hbm>>
      %dma_start3A_1313 = tpu.memref_squeeze %dma_start3A_1312 : memref<1x64x128xf32, #tpu.memory_space<hbm>> -> memref<64x128xf32, #tpu.memory_space<hbm>>
      %dma_start3A_1314 = arith.constant 0 : i32
      %dma_start3A_1315 = arith.constant 0 : i32
      %dma_start3A_1316 = tpu.memref_slice %arg6[%dma_start3A_1303, %dma_start3A_1314, %dma_start3A_1315] : memref<8x64x128xf32, #tpu.memory_space<vmem>> -> memref<1x64x128xf32, #tpu.memory_space<vmem>>
      %dma_start3A_1317 = tpu.memref_squeeze %dma_start3A_1316 : memref<1x64x128xf32, #tpu.memory_space<vmem>> -> memref<64x128xf32, #tpu.memory_space<vmem>>
      tpu.enqueue_dma source(%dma_start3A_1317 : memref<64x128xf32, #tpu.memory_space<vmem>>) target(%dma_start3A_1313 : memref<64x128xf32, #tpu.memory_space<hbm>>) target_semaphore(%arg17 : memref<!tpu.dma_semaphore, #tpu.memory_space<semaphore_mem>>)
      %add3A_1318 = arith.constant 6 : i32
      %add3A_1319 = arith.addi %mul3A_475, %add3A_1318 : i32
      %dma_wait3A_1320 = arith.constant 6 : i32
      %dma_wait3A_1321 = arith.constant 0 : i32
      %dma_wait3A_1322 = arith.constant 0 : i32
      %dma_wait3A_1323 = arith.constant 0 : i32
      %dma_wait3A_1324 = tpu.memref_slice %arg6[%dma_wait3A_1320, %dma_wait3A_1322, %dma_wait3A_1323] : memref<8x64x128xf32, #tpu.memory_space<vmem>> -> memref<1x64x128xf32, #tpu.memory_space<vmem>>
      %dma_wait3A_1325 = tpu.memref_squeeze %dma_wait3A_1324 : memref<1x64x128xf32, #tpu.memory_space<vmem>> -> memref<64x128xf32, #tpu.memory_space<vmem>>
      %dma_wait3A_1326 = arith.constant 0 : i32
      %dma_wait3A_1327 = tpu.memref_slice %arg4[%dma_wait3A_1321, %mul3A_2, %dma_wait3A_1326] : memref<100x4096x128xf32, #tpu.memory_space<hbm>> -> memref<1x64x128xf32, #tpu.memory_space<hbm>>
      %dma_wait3A_1328 = tpu.memref_squeeze %dma_wait3A_1327 : memref<1x64x128xf32, #tpu.memory_space<hbm>> -> memref<64x128xf32, #tpu.memory_space<hbm>>
      %dma_wait3A_1329 = arith.constant 0 : i32
      %dma_wait3A_1330 = tpu.memref_slice %arg4[%dma_wait3A_1321, %mul3A_2, %dma_wait3A_1329] : memref<100x4096x128xf32, #tpu.memory_space<hbm>> -> memref<1x64x128xf32, #tpu.memory_space<hbm>>
      %dma_wait3A_1331 = tpu.memref_squeeze %dma_wait3A_1330 : memref<1x64x128xf32, #tpu.memory_space<hbm>> -> memref<64x128xf32, #tpu.memory_space<hbm>>
      %dma_wait3A_1332 = arith.constant 0 : i32
      %dma_wait3A_1333 = arith.constant 0 : i32
      %dma_wait3A_1334 = tpu.memref_slice %arg6[%dma_wait3A_1320, %dma_wait3A_1332, %dma_wait3A_1333] : memref<8x64x128xf32, #tpu.memory_space<vmem>> -> memref<1x64x128xf32, #tpu.memory_space<vmem>>
      %dma_wait3A_1335 = tpu.memref_squeeze %dma_wait3A_1334 : memref<1x64x128xf32, #tpu.memory_space<vmem>> -> memref<64x128xf32, #tpu.memory_space<vmem>>
      tpu.wait_dma2 semaphore(%arg21 : memref<!tpu.dma_semaphore, #tpu.memory_space<semaphore_mem>>) src(%dma_wait3A_1335 : memref<64x128xf32, #tpu.memory_space<vmem>>) dst(%dma_wait3A_1331 : memref<64x128xf32, #tpu.memory_space<hbm>>)
      %jit3A_1336 = arith.constant 2 : i32
      %div3A_1337 = arith.divsi %add3A_1319, %jit3A_1336 : i32
      %sign3A_1338 = arith.constant 0 : i32
      %sign3A_1339 = arith.cmpi sgt, %add3A_1319, %sign3A_1338 : i32
      %sign3A_1340 = arith.extui %sign3A_1339 : i1 to i32
      %sign3A_1341 = arith.constant 0 : i32
      %sign3A_1342 = arith.cmpi slt, %add3A_1319, %sign3A_1341 : i32
      %sign3A_1343 = arith.extui %sign3A_1342 : i1 to i32
      %sign3A_1344 = arith.subi %sign3A_1340, %sign3A_1343 : i32
      %sign3A_1345 = arith.constant 0 : i32
      %sign3A_1346 = arith.cmpi sgt, %jit3A_1336, %sign3A_1345 : i32
      %sign3A_1347 = arith.extui %sign3A_1346 : i1 to i32
      %sign3A_1348 = arith.constant 0 : i32
      %sign3A_1349 = arith.cmpi slt, %jit3A_1336, %sign3A_1348 : i32
      %sign3A_1350 = arith.extui %sign3A_1349 : i1 to i32
      %sign3A_1351 = arith.subi %sign3A_1347, %sign3A_1350 : i32
      %ne3A_1352 = arith.cmpi ne, %sign3A_1344, %sign3A_1351 : i32
      %rem3A_1353 = arith.remsi %add3A_1319, %jit3A_1336 : i32
      %ne3A_1354 = arith.constant 0 : i32
      %ne3A_1355 = arith.cmpi ne, %rem3A_1353, %ne3A_1354 : i32
      %and3A_1356 = arith.andi %ne3A_1352, %ne3A_1355 : i1
      %sub3A_1357 = arith.constant 1 : i32
      %sub3A_1358 = arith.subi %div3A_1337, %sub3A_1357 : i32
      %select_n3A_1359 = arith.select %and3A_1356, %sub3A_1358, %div3A_1337 : i32
      %jit3A_1360 = arith.constant 2 : i32
      %eq3A_1361 = arith.constant 0 : i32
      %eq3A_1362 = arith.cmpi eq, %jit3A_1360, %eq3A_1361 : i32
      %jit3A_1363 = arith.constant 1 : i32
      %select_n3A_1364 = arith.select %eq3A_1362, %jit3A_1363, %jit3A_1360 : i32
      %rem3A_1365 = arith.remsi %add3A_1319, %select_n3A_1364 : i32
      %ne3A_1366 = arith.constant 0 : i32
      %ne3A_1367 = arith.cmpi ne, %rem3A_1365, %ne3A_1366 : i32
      %lt3A_1368 = arith.constant 0 : i32
      %lt3A_1369 = arith.cmpi slt, %rem3A_1365, %lt3A_1368 : i32
      %lt3A_1370 = arith.constant 0 : i32
      %lt3A_1371 = arith.cmpi slt, %select_n3A_1364, %lt3A_1370 : i32
      %ne3A_1372 = arith.xori %lt3A_1369, %lt3A_1371 : i1
      %and3A_1373 = arith.andi %ne3A_1372, %ne3A_1367 : i1
      %add3A_1374 = arith.addi %rem3A_1365, %select_n3A_1364 : i32
      %select_n3A_1375 = arith.select %and3A_1373, %add3A_1374, %rem3A_1365 : i32
      %mul3A_1376 = arith.constant 64 : i32
      %mul3A_1377 = arith.muli %select_n3A_1375, %mul3A_1376 : i32
      %dma_start3A_1378 = arith.constant 6 : i32
      %dma_start3A_1379 = arith.constant 0 : i32
      %dma_start3A_1380 = arith.constant 0 : i32
      %dma_start3A_1381 = tpu.memref_slice %arg6[%dma_start3A_1378, %dma_start3A_1379, %dma_start3A_1380] : memref<8x64x128xf32, #tpu.memory_space<vmem>> -> memref<1x64x128xf32, #tpu.memory_space<vmem>>
      %dma_start3A_1382 = tpu.memref_squeeze %dma_start3A_1381 : memref<1x64x128xf32, #tpu.memory_space<vmem>> -> memref<64x128xf32, #tpu.memory_space<vmem>>
      %dma_start3A_1383 = tpu.memref_slice %arg5[%select_n3A_1359, %mul3A_1377] : memref<100x128xi32, #tpu.memory_space<vmem>> -> memref<1x64xi32, #tpu.memory_space<vmem>>
      %dma_start3A_1384 = tpu.memref_squeeze %dma_start3A_1383 : memref<1x64xi32, #tpu.memory_space<vmem>> -> memref<64xi32, #tpu.memory_space<vmem>>
      %dma_start3A_1385 = arith.constant 0 : i32
      %dma_start3A_1386 = arith.constant 0 : i32
      %dma_start3A_1387 = tpu.memref_slice %arg3[%dma_start3A_1385, %dma_start3A_1386] : memref<100000x128xf32, #tpu.memory_space<hbm>> -> memref<100000x128xf32, #tpu.memory_space<hbm>>
      tpu.enqueue_indirect_dma source(%dma_start3A_1387 : memref<100000x128xf32, #tpu.memory_space<hbm>>) target(%dma_start3A_1382 : memref<64x128xf32, #tpu.memory_space<vmem>>) offsets(%dma_start3A_1384 : memref<64xi32, #tpu.memory_space<vmem>>) semaphore(%arg13 : memref<!tpu.dma_semaphore, #tpu.memory_space<semaphore_mem>>)
      %dma_wait3A_1388 = arith.constant 0 : i32
      %dma_wait3A_1389 = arith.constant 3 : i32
      %dma_wait3A_1390 = arith.constant 0 : i32
      %dma_wait3A_1391 = arith.constant 0 : i32
      %dma_wait3A_1392 = tpu.memref_slice %arg6[%dma_wait3A_1389, %dma_wait3A_1390, %dma_wait3A_1391] : memref<8x64x128xf32, #tpu.memory_space<vmem>> -> memref<1x64x128xf32, #tpu.memory_space<vmem>>
      %dma_wait3A_1393 = tpu.memref_squeeze %dma_wait3A_1392 : memref<1x64x128xf32, #tpu.memory_space<vmem>> -> memref<64x128xf32, #tpu.memory_space<vmem>>
      %dma_wait3A_1394 = arith.constant 0 : i32
      %dma_wait3A_1395 = tpu.memref_slice %arg5[%dma_wait3A_1388, %dma_wait3A_1394] : memref<100x128xi32, #tpu.memory_space<vmem>> -> memref<1x64xi32, #tpu.memory_space<vmem>>
      %dma_wait3A_1396 = tpu.memref_squeeze %dma_wait3A_1395 : memref<1x64xi32, #tpu.memory_space<vmem>> -> memref<64xi32, #tpu.memory_space<vmem>>
      %dma_wait3A_1397 = arith.constant 0 : i32
      %dma_wait3A_1398 = arith.constant 0 : i32
      %dma_wait3A_1399 = tpu.memref_slice %arg3[%dma_wait3A_1397, %dma_wait3A_1398] : memref<100000x128xf32, #tpu.memory_space<hbm>> -> memref<100000x128xf32, #tpu.memory_space<hbm>>
      tpu.wait_indirect_dma semaphore(%arg10 : memref<!tpu.dma_semaphore, #tpu.memory_space<semaphore_mem>>) src(%dma_wait3A_1399 : memref<100000x128xf32, #tpu.memory_space<hbm>>) dst(%dma_wait3A_1393 : memref<64x128xf32, #tpu.memory_space<vmem>>)
      %sub3A_1400 = arith.constant 3 : i32
      %sub3A_1401 = arith.subi %add3A_1319, %sub3A_1400 : i32
      %jit3A_1402 = arith.constant 2 : i32
      %div3A_1403 = arith.divsi %sub3A_1401, %jit3A_1402 : i32
      %sign3A_1404 = arith.constant 0 : i32
      %sign3A_1405 = arith.cmpi sgt, %sub3A_1401, %sign3A_1404 : i32
      %sign3A_1406 = arith.extui %sign3A_1405 : i1 to i32
      %sign3A_1407 = arith.constant 0 : i32
      %sign3A_1408 = arith.cmpi slt, %sub3A_1401, %sign3A_1407 : i32
      %sign3A_1409 = arith.extui %sign3A_1408 : i1 to i32
      %sign3A_1410 = arith.subi %sign3A_1406, %sign3A_1409 : i32
      %sign3A_1411 = arith.constant 0 : i32
      %sign3A_1412 = arith.cmpi sgt, %jit3A_1402, %sign3A_1411 : i32
      %sign3A_1413 = arith.extui %sign3A_1412 : i1 to i32
      %sign3A_1414 = arith.constant 0 : i32
      %sign3A_1415 = arith.cmpi slt, %jit3A_1402, %sign3A_1414 : i32
      %sign3A_1416 = arith.extui %sign3A_1415 : i1 to i32
      %sign3A_1417 = arith.subi %sign3A_1413, %sign3A_1416 : i32
      %ne3A_1418 = arith.cmpi ne, %sign3A_1410, %sign3A_1417 : i32
      %rem3A_1419 = arith.remsi %sub3A_1401, %jit3A_1402 : i32
      %ne3A_1420 = arith.constant 0 : i32
      %ne3A_1421 = arith.cmpi ne, %rem3A_1419, %ne3A_1420 : i32
      %and3A_1422 = arith.andi %ne3A_1418, %ne3A_1421 : i1
      %sub3A_1423 = arith.constant 1 : i32
      %sub3A_1424 = arith.subi %div3A_1403, %sub3A_1423 : i32
      %select_n3A_1425 = arith.select %and3A_1422, %sub3A_1424, %div3A_1403 : i32
      %jit3A_1426 = arith.constant 2 : i32
      %eq3A_1427 = arith.constant 0 : i32
      %eq3A_1428 = arith.cmpi eq, %jit3A_1426, %eq3A_1427 : i32
      %jit3A_1429 = arith.constant 1 : i32
      %select_n3A_1430 = arith.select %eq3A_1428, %jit3A_1429, %jit3A_1426 : i32
      %rem3A_1431 = arith.remsi %sub3A_1401, %select_n3A_1430 : i32
      %ne3A_1432 = arith.constant 0 : i32
      %ne3A_1433 = arith.cmpi ne, %rem3A_1431, %ne3A_1432 : i32
      %lt3A_1434 = arith.constant 0 : i32
      %lt3A_1435 = arith.cmpi slt, %rem3A_1431, %lt3A_1434 : i32
      %lt3A_1436 = arith.constant 0 : i32
      %lt3A_1437 = arith.cmpi slt, %select_n3A_1430, %lt3A_1436 : i32
      %ne3A_1438 = arith.xori %lt3A_1435, %lt3A_1437 : i1
      %and3A_1439 = arith.andi %ne3A_1438, %ne3A_1433 : i1
      %add3A_1440 = arith.addi %rem3A_1431, %select_n3A_1430 : i32
      %select_n3A_1441 = arith.select %and3A_1439, %add3A_1440, %rem3A_1431 : i32
      %mul3A_1442 = arith.constant 64 : i32
      %mul3A_1443 = arith.muli %select_n3A_1441, %mul3A_1442 : i32
      %add3A_1444 = arith.addi %mul3A_2, %mul3A_1443 : i32
      %dma_start3A_1445 = arith.constant 3 : i32
      %dma_start3A_1446 = arith.constant 0 : i32
      %dma_start3A_1447 = arith.constant 0 : i32
      %dma_start3A_1448 = tpu.memref_slice %arg6[%dma_start3A_1445, %dma_start3A_1446, %dma_start3A_1447] : memref<8x64x128xf32, #tpu.memory_space<vmem>> -> memref<1x64x128xf32, #tpu.memory_space<vmem>>
      %dma_start3A_1449 = tpu.memref_squeeze %dma_start3A_1448 : memref<1x64x128xf32, #tpu.memory_space<vmem>> -> memref<64x128xf32, #tpu.memory_space<vmem>>
      %dma_start3A_1450 = arith.constant 0 : i32
      %dma_start3A_1451 = tpu.memref_slice %arg4[%select_n3A_1425, %add3A_1444, %dma_start3A_1450] : memref<100x4096x128xf32, #tpu.memory_space<hbm>> -> memref<1x64x128xf32, #tpu.memory_space<hbm>>
      %dma_start3A_1452 = tpu.memref_squeeze %dma_start3A_1451 : memref<1x64x128xf32, #tpu.memory_space<hbm>> -> memref<64x128xf32, #tpu.memory_space<hbm>>
      %dma_start3A_1453 = arith.constant 0 : i32
      %dma_start3A_1454 = tpu.memref_slice %arg4[%select_n3A_1425, %add3A_1444, %dma_start3A_1453] : memref<100x4096x128xf32, #tpu.memory_space<hbm>> -> memref<1x64x128xf32, #tpu.memory_space<hbm>>
      %dma_start3A_1455 = tpu.memref_squeeze %dma_start3A_1454 : memref<1x64x128xf32, #tpu.memory_space<hbm>> -> memref<64x128xf32, #tpu.memory_space<hbm>>
      %dma_start3A_1456 = arith.constant 0 : i32
      %dma_start3A_1457 = arith.constant 0 : i32
      %dma_start3A_1458 = tpu.memref_slice %arg6[%dma_start3A_1445, %dma_start3A_1456, %dma_start3A_1457] : memref<8x64x128xf32, #tpu.memory_space<vmem>> -> memref<1x64x128xf32, #tpu.memory_space<vmem>>
      %dma_start3A_1459 = tpu.memref_squeeze %dma_start3A_1458 : memref<1x64x128xf32, #tpu.memory_space<vmem>> -> memref<64x128xf32, #tpu.memory_space<vmem>>
      tpu.enqueue_dma source(%dma_start3A_1459 : memref<64x128xf32, #tpu.memory_space<vmem>>) target(%dma_start3A_1455 : memref<64x128xf32, #tpu.memory_space<hbm>>) target_semaphore(%arg18 : memref<!tpu.dma_semaphore, #tpu.memory_space<semaphore_mem>>)
      %add3A_1460 = arith.constant 7 : i32
      %add3A_1461 = arith.addi %mul3A_475, %add3A_1460 : i32
      %dma_wait3A_1462 = arith.constant 7 : i32
      %dma_wait3A_1463 = arith.constant 0 : i32
      %dma_wait3A_1464 = arith.constant 0 : i32
      %dma_wait3A_1465 = arith.constant 0 : i32
      %dma_wait3A_1466 = tpu.memref_slice %arg6[%dma_wait3A_1462, %dma_wait3A_1464, %dma_wait3A_1465] : memref<8x64x128xf32, #tpu.memory_space<vmem>> -> memref<1x64x128xf32, #tpu.memory_space<vmem>>
      %dma_wait3A_1467 = tpu.memref_squeeze %dma_wait3A_1466 : memref<1x64x128xf32, #tpu.memory_space<vmem>> -> memref<64x128xf32, #tpu.memory_space<vmem>>
      %dma_wait3A_1468 = arith.constant 0 : i32
      %dma_wait3A_1469 = tpu.memref_slice %arg4[%dma_wait3A_1463, %mul3A_2, %dma_wait3A_1468] : memref<100x4096x128xf32, #tpu.memory_space<hbm>> -> memref<1x64x128xf32, #tpu.memory_space<hbm>>
      %dma_wait3A_1470 = tpu.memref_squeeze %dma_wait3A_1469 : memref<1x64x128xf32, #tpu.memory_space<hbm>> -> memref<64x128xf32, #tpu.memory_space<hbm>>
      %dma_wait3A_1471 = arith.constant 0 : i32
      %dma_wait3A_1472 = tpu.memref_slice %arg4[%dma_wait3A_1463, %mul3A_2, %dma_wait3A_1471] : memref<100x4096x128xf32, #tpu.memory_space<hbm>> -> memref<1x64x128xf32, #tpu.memory_space<hbm>>
      %dma_wait3A_1473 = tpu.memref_squeeze %dma_wait3A_1472 : memref<1x64x128xf32, #tpu.memory_space<hbm>> -> memref<64x128xf32, #tpu.memory_space<hbm>>
      %dma_wait3A_1474 = arith.constant 0 : i32
      %dma_wait3A_1475 = arith.constant 0 : i32
      %dma_wait3A_1476 = tpu.memref_slice %arg6[%dma_wait3A_1462, %dma_wait3A_1474, %dma_wait3A_1475] : memref<8x64x128xf32, #tpu.memory_space<vmem>> -> memref<1x64x128xf32, #tpu.memory_space<vmem>>
      %dma_wait3A_1477 = tpu.memref_squeeze %dma_wait3A_1476 : memref<1x64x128xf32, #tpu.memory_space<vmem>> -> memref<64x128xf32, #tpu.memory_space<vmem>>
      tpu.wait_dma2 semaphore(%arg22 : memref<!tpu.dma_semaphore, #tpu.memory_space<semaphore_mem>>) src(%dma_wait3A_1477 : memref<64x128xf32, #tpu.memory_space<vmem>>) dst(%dma_wait3A_1473 : memref<64x128xf32, #tpu.memory_space<hbm>>)
      %jit3A_1478 = arith.constant 2 : i32
      %div3A_1479 = arith.divsi %add3A_1461, %jit3A_1478 : i32
      %sign3A_1480 = arith.constant 0 : i32
      %sign3A_1481 = arith.cmpi sgt, %add3A_1461, %sign3A_1480 : i32
      %sign3A_1482 = arith.extui %sign3A_1481 : i1 to i32
      %sign3A_1483 = arith.constant 0 : i32
      %sign3A_1484 = arith.cmpi slt, %add3A_1461, %sign3A_1483 : i32
      %sign3A_1485 = arith.extui %sign3A_1484 : i1 to i32
      %sign3A_1486 = arith.subi %sign3A_1482, %sign3A_1485 : i32
      %sign3A_1487 = arith.constant 0 : i32
      %sign3A_1488 = arith.cmpi sgt, %jit3A_1478, %sign3A_1487 : i32
      %sign3A_1489 = arith.extui %sign3A_1488 : i1 to i32
      %sign3A_1490 = arith.constant 0 : i32
      %sign3A_1491 = arith.cmpi slt, %jit3A_1478, %sign3A_1490 : i32
      %sign3A_1492 = arith.extui %sign3A_1491 : i1 to i32
      %sign3A_1493 = arith.subi %sign3A_1489, %sign3A_1492 : i32
      %ne3A_1494 = arith.cmpi ne, %sign3A_1486, %sign3A_1493 : i32
      %rem3A_1495 = arith.remsi %add3A_1461, %jit3A_1478 : i32
      %ne3A_1496 = arith.constant 0 : i32
      %ne3A_1497 = arith.cmpi ne, %rem3A_1495, %ne3A_1496 : i32
      %and3A_1498 = arith.andi %ne3A_1494, %ne3A_1497 : i1
      %sub3A_1499 = arith.constant 1 : i32
      %sub3A_1500 = arith.subi %div3A_1479, %sub3A_1499 : i32
      %select_n3A_1501 = arith.select %and3A_1498, %sub3A_1500, %div3A_1479 : i32
      %jit3A_1502 = arith.constant 2 : i32
      %eq3A_1503 = arith.constant 0 : i32
      %eq3A_1504 = arith.cmpi eq, %jit3A_1502, %eq3A_1503 : i32
      %jit3A_1505 = arith.constant 1 : i32
      %select_n3A_1506 = arith.select %eq3A_1504, %jit3A_1505, %jit3A_1502 : i32
      %rem3A_1507 = arith.remsi %add3A_1461, %select_n3A_1506 : i32
      %ne3A_1508 = arith.constant 0 : i32
      %ne3A_1509 = arith.cmpi ne, %rem3A_1507, %ne3A_1508 : i32
      %lt3A_1510 = arith.constant 0 : i32
      %lt3A_1511 = arith.cmpi slt, %rem3A_1507, %lt3A_1510 : i32
      %lt3A_1512 = arith.constant 0 : i32
      %lt3A_1513 = arith.cmpi slt, %select_n3A_1506, %lt3A_1512 : i32
      %ne3A_1514 = arith.xori %lt3A_1511, %lt3A_1513 : i1
      %and3A_1515 = arith.andi %ne3A_1514, %ne3A_1509 : i1
      %add3A_1516 = arith.addi %rem3A_1507, %select_n3A_1506 : i32
      %select_n3A_1517 = arith.select %and3A_1515, %add3A_1516, %rem3A_1507 : i32
      %mul3A_1518 = arith.constant 64 : i32
      %mul3A_1519 = arith.muli %select_n3A_1517, %mul3A_1518 : i32
      %dma_start3A_1520 = arith.constant 7 : i32
      %dma_start3A_1521 = arith.constant 0 : i32
      %dma_start3A_1522 = arith.constant 0 : i32
      %dma_start3A_1523 = tpu.memref_slice %arg6[%dma_start3A_1520, %dma_start3A_1521, %dma_start3A_1522] : memref<8x64x128xf32, #tpu.memory_space<vmem>> -> memref<1x64x128xf32, #tpu.memory_space<vmem>>
      %dma_start3A_1524 = tpu.memref_squeeze %dma_start3A_1523 : memref<1x64x128xf32, #tpu.memory_space<vmem>> -> memref<64x128xf32, #tpu.memory_space<vmem>>
      %dma_start3A_1525 = tpu.memref_slice %arg5[%select_n3A_1501, %mul3A_1519] : memref<100x128xi32, #tpu.memory_space<vmem>> -> memref<1x64xi32, #tpu.memory_space<vmem>>
      %dma_start3A_1526 = tpu.memref_squeeze %dma_start3A_1525 : memref<1x64xi32, #tpu.memory_space<vmem>> -> memref<64xi32, #tpu.memory_space<vmem>>
      %dma_start3A_1527 = arith.constant 0 : i32
      %dma_start3A_1528 = arith.constant 0 : i32
      %dma_start3A_1529 = tpu.memref_slice %arg3[%dma_start3A_1527, %dma_start3A_1528] : memref<100000x128xf32, #tpu.memory_space<hbm>> -> memref<100000x128xf32, #tpu.memory_space<hbm>>
      tpu.enqueue_indirect_dma source(%dma_start3A_1529 : memref<100000x128xf32, #tpu.memory_space<hbm>>) target(%dma_start3A_1524 : memref<64x128xf32, #tpu.memory_space<vmem>>) offsets(%dma_start3A_1526 : memref<64xi32, #tpu.memory_space<vmem>>) semaphore(%arg14 : memref<!tpu.dma_semaphore, #tpu.memory_space<semaphore_mem>>)
      %dma_wait3A_1530 = arith.constant 0 : i32
      %dma_wait3A_1531 = arith.constant 4 : i32
      %dma_wait3A_1532 = arith.constant 0 : i32
      %dma_wait3A_1533 = arith.constant 0 : i32
      %dma_wait3A_1534 = tpu.memref_slice %arg6[%dma_wait3A_1531, %dma_wait3A_1532, %dma_wait3A_1533] : memref<8x64x128xf32, #tpu.memory_space<vmem>> -> memref<1x64x128xf32, #tpu.memory_space<vmem>>
      %dma_wait3A_1535 = tpu.memref_squeeze %dma_wait3A_1534 : memref<1x64x128xf32, #tpu.memory_space<vmem>> -> memref<64x128xf32, #tpu.memory_space<vmem>>
      %dma_wait3A_1536 = arith.constant 0 : i32
      %dma_wait3A_1537 = tpu.memref_slice %arg5[%dma_wait3A_1530, %dma_wait3A_1536] : memref<100x128xi32, #tpu.memory_space<vmem>> -> memref<1x64xi32, #tpu.memory_space<vmem>>
      %dma_wait3A_1538 = tpu.memref_squeeze %dma_wait3A_1537 : memref<1x64xi32, #tpu.memory_space<vmem>> -> memref<64xi32, #tpu.memory_space<vmem>>
      %dma_wait3A_1539 = arith.constant 0 : i32
      %dma_wait3A_1540 = arith.constant 0 : i32
      %dma_wait3A_1541 = tpu.memref_slice %arg3[%dma_wait3A_1539, %dma_wait3A_1540] : memref<100000x128xf32, #tpu.memory_space<hbm>> -> memref<100000x128xf32, #tpu.memory_space<hbm>>
      tpu.wait_indirect_dma semaphore(%arg11 : memref<!tpu.dma_semaphore, #tpu.memory_space<semaphore_mem>>) src(%dma_wait3A_1541 : memref<100000x128xf32, #tpu.memory_space<hbm>>) dst(%dma_wait3A_1535 : memref<64x128xf32, #tpu.memory_space<vmem>>)
      %sub3A_1542 = arith.constant 3 : i32
      %sub3A_1543 = arith.subi %add3A_1461, %sub3A_1542 : i32
      %jit3A_1544 = arith.constant 2 : i32
      %div3A_1545 = arith.divsi %sub3A_1543, %jit3A_1544 : i32
      %sign3A_1546 = arith.constant 0 : i32
      %sign3A_1547 = arith.cmpi sgt, %sub3A_1543, %sign3A_1546 : i32
      %sign3A_1548 = arith.extui %sign3A_1547 : i1 to i32
      %sign3A_1549 = arith.constant 0 : i32
      %sign3A_1550 = arith.cmpi slt, %sub3A_1543, %sign3A_1549 : i32
      %sign3A_1551 = arith.extui %sign3A_1550 : i1 to i32
      %sign3A_1552 = arith.subi %sign3A_1548, %sign3A_1551 : i32
      %sign3A_1553 = arith.constant 0 : i32
      %sign3A_1554 = arith.cmpi sgt, %jit3A_1544, %sign3A_1553 : i32
      %sign3A_1555 = arith.extui %sign3A_1554 : i1 to i32
      %sign3A_1556 = arith.constant 0 : i32
      %sign3A_1557 = arith.cmpi slt, %jit3A_1544, %sign3A_1556 : i32
      %sign3A_1558 = arith.extui %sign3A_1557 : i1 to i32
      %sign3A_1559 = arith.subi %sign3A_1555, %sign3A_1558 : i32
      %ne3A_1560 = arith.cmpi ne, %sign3A_1552, %sign3A_1559 : i32
      %rem3A_1561 = arith.remsi %sub3A_1543, %jit3A_1544 : i32
      %ne3A_1562 = arith.constant 0 : i32
      %ne3A_1563 = arith.cmpi ne, %rem3A_1561, %ne3A_1562 : i32
      %and3A_1564 = arith.andi %ne3A_1560, %ne3A_1563 : i1
      %sub3A_1565 = arith.constant 1 : i32
      %sub3A_1566 = arith.subi %div3A_1545, %sub3A_1565 : i32
      %select_n3A_1567 = arith.select %and3A_1564, %sub3A_1566, %div3A_1545 : i32
      %jit3A_1568 = arith.constant 2 : i32
      %eq3A_1569 = arith.constant 0 : i32
      %eq3A_1570 = arith.cmpi eq, %jit3A_1568, %eq3A_1569 : i32
      %jit3A_1571 = arith.constant 1 : i32
      %select_n3A_1572 = arith.select %eq3A_1570, %jit3A_1571, %jit3A_1568 : i32
      %rem3A_1573 = arith.remsi %sub3A_1543, %select_n3A_1572 : i32
      %ne3A_1574 = arith.constant 0 : i32
      %ne3A_1575 = arith.cmpi ne, %rem3A_1573, %ne3A_1574 : i32
      %lt3A_1576 = arith.constant 0 : i32
      %lt3A_1577 = arith.cmpi slt, %rem3A_1573, %lt3A_1576 : i32
      %lt3A_1578 = arith.constant 0 : i32
      %lt3A_1579 = arith.cmpi slt, %select_n3A_1572, %lt3A_1578 : i32
      %ne3A_1580 = arith.xori %lt3A_1577, %lt3A_1579 : i1
      %and3A_1581 = arith.andi %ne3A_1580, %ne3A_1575 : i1
      %add3A_1582 = arith.addi %rem3A_1573, %select_n3A_1572 : i32
      %select_n3A_1583 = arith.select %and3A_1581, %add3A_1582, %rem3A_1573 : i32
      %mul3A_1584 = arith.constant 64 : i32
      %mul3A_1585 = arith.muli %select_n3A_1583, %mul3A_1584 : i32
      %add3A_1586 = arith.addi %mul3A_2, %mul3A_1585 : i32
      %dma_start3A_1587 = arith.constant 4 : i32
      %dma_start3A_1588 = arith.constant 0 : i32
      %dma_start3A_1589 = arith.constant 0 : i32
      %dma_start3A_1590 = tpu.memref_slice %arg6[%dma_start3A_1587, %dma_start3A_1588, %dma_start3A_1589] : memref<8x64x128xf32, #tpu.memory_space<vmem>> -> memref<1x64x128xf32, #tpu.memory_space<vmem>>
      %dma_start3A_1591 = tpu.memref_squeeze %dma_start3A_1590 : memref<1x64x128xf32, #tpu.memory_space<vmem>> -> memref<64x128xf32, #tpu.memory_space<vmem>>
      %dma_start3A_1592 = arith.constant 0 : i32
      %dma_start3A_1593 = tpu.memref_slice %arg4[%select_n3A_1567, %add3A_1586, %dma_start3A_1592] : memref<100x4096x128xf32, #tpu.memory_space<hbm>> -> memref<1x64x128xf32, #tpu.memory_space<hbm>>
      %dma_start3A_1594 = tpu.memref_squeeze %dma_start3A_1593 : memref<1x64x128xf32, #tpu.memory_space<hbm>> -> memref<64x128xf32, #tpu.memory_space<hbm>>
      %dma_start3A_1595 = arith.constant 0 : i32
      %dma_start3A_1596 = tpu.memref_slice %arg4[%select_n3A_1567, %add3A_1586, %dma_start3A_1595] : memref<100x4096x128xf32, #tpu.memory_space<hbm>> -> memref<1x64x128xf32, #tpu.memory_space<hbm>>
      %dma_start3A_1597 = tpu.memref_squeeze %dma_start3A_1596 : memref<1x64x128xf32, #tpu.memory_space<hbm>> -> memref<64x128xf32, #tpu.memory_space<hbm>>
      %dma_start3A_1598 = arith.constant 0 : i32
      %dma_start3A_1599 = arith.constant 0 : i32
      %dma_start3A_1600 = tpu.memref_slice %arg6[%dma_start3A_1587, %dma_start3A_1598, %dma_start3A_1599] : memref<8x64x128xf32, #tpu.memory_space<vmem>> -> memref<1x64x128xf32, #tpu.memory_space<vmem>>
      %dma_start3A_1601 = tpu.memref_squeeze %dma_start3A_1600 : memref<1x64x128xf32, #tpu.memory_space<vmem>> -> memref<64x128xf32, #tpu.memory_space<vmem>>
      tpu.enqueue_dma source(%dma_start3A_1601 : memref<64x128xf32, #tpu.memory_space<vmem>>) target(%dma_start3A_1597 : memref<64x128xf32, #tpu.memory_space<hbm>>) target_semaphore(%arg19 : memref<!tpu.dma_semaphore, #tpu.memory_space<semaphore_mem>>)
    }
    %scan3A_250 = arith.constant 24 : i32
    %dma_wait3A_251 = arith.constant 0 : i32
    %dma_wait3A_252 = arith.constant 5 : i32
    %dma_wait3A_253 = arith.constant 0 : i32
    %dma_wait3A_254 = arith.constant 0 : i32
    %dma_wait3A_255 = tpu.memref_slice %arg6[%dma_wait3A_252, %dma_wait3A_253, %dma_wait3A_254] : memref<8x64x128xf32, #tpu.memory_space<vmem>> -> memref<1x64x128xf32, #tpu.memory_space<vmem>>
    %dma_wait3A_256 = tpu.memref_squeeze %dma_wait3A_255 : memref<1x64x128xf32, #tpu.memory_space<vmem>> -> memref<64x128xf32, #tpu.memory_space<vmem>>
    %dma_wait3A_257 = arith.constant 0 : i32
    %dma_wait3A_258 = tpu.memref_slice %arg5[%dma_wait3A_251, %dma_wait3A_257] : memref<100x128xi32, #tpu.memory_space<vmem>> -> memref<1x64xi32, #tpu.memory_space<vmem>>
    %dma_wait3A_259 = tpu.memref_squeeze %dma_wait3A_258 : memref<1x64xi32, #tpu.memory_space<vmem>> -> memref<64xi32, #tpu.memory_space<vmem>>
    %dma_wait3A_260 = arith.constant 0 : i32
    %dma_wait3A_261 = arith.constant 0 : i32
    %dma_wait3A_262 = tpu.memref_slice %arg3[%dma_wait3A_260, %dma_wait3A_261] : memref<100000x128xf32, #tpu.memory_space<hbm>> -> memref<100000x128xf32, #tpu.memory_space<hbm>>
    tpu.wait_indirect_dma semaphore(%arg12 : memref<!tpu.dma_semaphore, #tpu.memory_space<semaphore_mem>>) src(%dma_wait3A_262 : memref<100000x128xf32, #tpu.memory_space<hbm>>) dst(%dma_wait3A_256 : memref<64x128xf32, #tpu.memory_space<vmem>>)
    %add3A_263 = arith.constant 64 : i32
    %add3A_264 = arith.addi %mul3A_2, %add3A_263 : i32
    %dma_start3A_265 = arith.constant 5 : i32
    %dma_start3A_266 = arith.constant 98 : i32
    %dma_start3A_267 = arith.constant 0 : i32
    %dma_start3A_268 = arith.constant 0 : i32
    %dma_start3A_269 = tpu.memref_slice %arg6[%dma_start3A_265, %dma_start3A_267, %dma_start3A_268] : memref<8x64x128xf32, #tpu.memory_space<vmem>> -> memref<1x64x128xf32, #tpu.memory_space<vmem>>
    %dma_start3A_270 = tpu.memref_squeeze %dma_start3A_269 : memref<1x64x128xf32, #tpu.memory_space<vmem>> -> memref<64x128xf32, #tpu.memory_space<vmem>>
    %dma_start3A_271 = arith.constant 0 : i32
    %dma_start3A_272 = tpu.memref_slice %arg4[%dma_start3A_266, %add3A_264, %dma_start3A_271] : memref<100x4096x128xf32, #tpu.memory_space<hbm>> -> memref<1x64x128xf32, #tpu.memory_space<hbm>>
    %dma_start3A_273 = tpu.memref_squeeze %dma_start3A_272 : memref<1x64x128xf32, #tpu.memory_space<hbm>> -> memref<64x128xf32, #tpu.memory_space<hbm>>
    %dma_start3A_274 = arith.constant 0 : i32
    %dma_start3A_275 = tpu.memref_slice %arg4[%dma_start3A_266, %add3A_264, %dma_start3A_274] : memref<100x4096x128xf32, #tpu.memory_space<hbm>> -> memref<1x64x128xf32, #tpu.memory_space<hbm>>
    %dma_start3A_276 = tpu.memref_squeeze %dma_start3A_275 : memref<1x64x128xf32, #tpu.memory_space<hbm>> -> memref<64x128xf32, #tpu.memory_space<hbm>>
    %dma_start3A_277 = arith.constant 0 : i32
    %dma_start3A_278 = arith.constant 0 : i32
    %dma_start3A_279 = tpu.memref_slice %arg6[%dma_start3A_265, %dma_start3A_277, %dma_start3A_278] : memref<8x64x128xf32, #tpu.memory_space<vmem>> -> memref<1x64x128xf32, #tpu.memory_space<vmem>>
    %dma_start3A_280 = tpu.memref_squeeze %dma_start3A_279 : memref<1x64x128xf32, #tpu.memory_space<vmem>> -> memref<64x128xf32, #tpu.memory_space<vmem>>
    tpu.enqueue_dma source(%dma_start3A_280 : memref<64x128xf32, #tpu.memory_space<vmem>>) target(%dma_start3A_276 : memref<64x128xf32, #tpu.memory_space<hbm>>) target_semaphore(%arg20 : memref<!tpu.dma_semaphore, #tpu.memory_space<semaphore_mem>>)
    %dma_wait3A_281 = arith.constant 0 : i32
    %dma_wait3A_282 = arith.constant 6 : i32
    %dma_wait3A_283 = arith.constant 0 : i32
    %dma_wait3A_284 = arith.constant 0 : i32
    %dma_wait3A_285 = tpu.memref_slice %arg6[%dma_wait3A_282, %dma_wait3A_283, %dma_wait3A_284] : memref<8x64x128xf32, #tpu.memory_space<vmem>> -> memref<1x64x128xf32, #tpu.memory_space<vmem>>
    %dma_wait3A_286 = tpu.memref_squeeze %dma_wait3A_285 : memref<1x64x128xf32, #tpu.memory_space<vmem>> -> memref<64x128xf32, #tpu.memory_space<vmem>>
    %dma_wait3A_287 = arith.constant 0 : i32
    %dma_wait3A_288 = tpu.memref_slice %arg5[%dma_wait3A_281, %dma_wait3A_287] : memref<100x128xi32, #tpu.memory_space<vmem>> -> memref<1x64xi32, #tpu.memory_space<vmem>>
    %dma_wait3A_289 = tpu.memref_squeeze %dma_wait3A_288 : memref<1x64xi32, #tpu.memory_space<vmem>> -> memref<64xi32, #tpu.memory_space<vmem>>
    %dma_wait3A_290 = arith.constant 0 : i32
    %dma_wait3A_291 = arith.constant 0 : i32
    %dma_wait3A_292 = tpu.memref_slice %arg3[%dma_wait3A_290, %dma_wait3A_291] : memref<100000x128xf32, #tpu.memory_space<hbm>> -> memref<100000x128xf32, #tpu.memory_space<hbm>>
    tpu.wait_indirect_dma semaphore(%arg13 : memref<!tpu.dma_semaphore, #tpu.memory_space<semaphore_mem>>) src(%dma_wait3A_292 : memref<100000x128xf32, #tpu.memory_space<hbm>>) dst(%dma_wait3A_286 : memref<64x128xf32, #tpu.memory_space<vmem>>)
    %add3A_293 = arith.constant 0 : i32
    %add3A_294 = arith.addi %mul3A_2, %add3A_293 : i32
    %dma_start3A_295 = arith.constant 6 : i32
    %dma_start3A_296 = arith.constant 99 : i32
    %dma_start3A_297 = arith.constant 0 : i32
    %dma_start3A_298 = arith.constant 0 : i32
    %dma_start3A_299 = tpu.memref_slice %arg6[%dma_start3A_295, %dma_start3A_297, %dma_start3A_298] : memref<8x64x128xf32, #tpu.memory_space<vmem>> -> memref<1x64x128xf32, #tpu.memory_space<vmem>>
    %dma_start3A_300 = tpu.memref_squeeze %dma_start3A_299 : memref<1x64x128xf32, #tpu.memory_space<vmem>> -> memref<64x128xf32, #tpu.memory_space<vmem>>
    %dma_start3A_301 = arith.constant 0 : i32
    %dma_start3A_302 = tpu.memref_slice %arg4[%dma_start3A_296, %add3A_294, %dma_start3A_301] : memref<100x4096x128xf32, #tpu.memory_space<hbm>> -> memref<1x64x128xf32, #tpu.memory_space<hbm>>
    %dma_start3A_303 = tpu.memref_squeeze %dma_start3A_302 : memref<1x64x128xf32, #tpu.memory_space<hbm>> -> memref<64x128xf32, #tpu.memory_space<hbm>>
    %dma_start3A_304 = arith.constant 0 : i32
    %dma_start3A_305 = tpu.memref_slice %arg4[%dma_start3A_296, %add3A_294, %dma_start3A_304] : memref<100x4096x128xf32, #tpu.memory_space<hbm>> -> memref<1x64x128xf32, #tpu.memory_space<hbm>>
    %dma_start3A_306 = tpu.memref_squeeze %dma_start3A_305 : memref<1x64x128xf32, #tpu.memory_space<hbm>> -> memref<64x128xf32, #tpu.memory_space<hbm>>
    %dma_start3A_307 = arith.constant 0 : i32
    %dma_start3A_308 = arith.constant 0 : i32
    %dma_start3A_309 = tpu.memref_slice %arg6[%dma_start3A_295, %dma_start3A_307, %dma_start3A_308] : memref<8x64x128xf32, #tpu.memory_space<vmem>> -> memref<1x64x128xf32, #tpu.memory_space<vmem>>
    %dma_start3A_310 = tpu.memref_squeeze %dma_start3A_309 : memref<1x64x128xf32, #tpu.memory_space<vmem>> -> memref<64x128xf32, #tpu.memory_space<vmem>>
    tpu.enqueue_dma source(%dma_start3A_310 : memref<64x128xf32, #tpu.memory_space<vmem>>) target(%dma_start3A_306 : memref<64x128xf32, #tpu.memory_space<hbm>>) target_semaphore(%arg21 : memref<!tpu.dma_semaphore, #tpu.memory_space<semaphore_mem>>)
    %dma_wait3A_311 = arith.constant 0 : i32
    %dma_wait3A_312 = arith.constant 7 : i32
    %dma_wait3A_313 = arith.constant 0 : i32
    %dma_wait3A_314 = arith.constant 0 : i32
    %dma_wait3A_315 = tpu.memref_slice %arg6[%dma_wait3A_312, %dma_wait3A_313, %dma_wait3A_314] : memref<8x64x128xf32, #tpu.memory_space<vmem>> -> memref<1x64x128xf32, #tpu.memory_space<vmem>>
    %dma_wait3A_316 = tpu.memref_squeeze %dma_wait3A_315 : memref<1x64x128xf32, #tpu.memory_space<vmem>> -> memref<64x128xf32, #tpu.memory_space<vmem>>
    %dma_wait3A_317 = arith.constant 0 : i32
    %dma_wait3A_318 = tpu.memref_slice %arg5[%dma_wait3A_311, %dma_wait3A_317] : memref<100x128xi32, #tpu.memory_space<vmem>> -> memref<1x64xi32, #tpu.memory_space<vmem>>
    %dma_wait3A_319 = tpu.memref_squeeze %dma_wait3A_318 : memref<1x64xi32, #tpu.memory_space<vmem>> -> memref<64xi32, #tpu.memory_space<vmem>>
    %dma_wait3A_320 = arith.constant 0 : i32
    %dma_wait3A_321 = arith.constant 0 : i32
    %dma_wait3A_322 = tpu.memref_slice %arg3[%dma_wait3A_320, %dma_wait3A_321] : memref<100000x128xf32, #tpu.memory_space<hbm>> -> memref<100000x128xf32, #tpu.memory_space<hbm>>
    tpu.wait_indirect_dma semaphore(%arg14 : memref<!tpu.dma_semaphore, #tpu.memory_space<semaphore_mem>>) src(%dma_wait3A_322 : memref<100000x128xf32, #tpu.memory_space<hbm>>) dst(%dma_wait3A_316 : memref<64x128xf32, #tpu.memory_space<vmem>>)
    %add3A_323 = arith.constant 64 : i32
    %add3A_324 = arith.addi %mul3A_2, %add3A_323 : i32
    %dma_start3A_325 = arith.constant 7 : i32
    %dma_start3A_326 = arith.constant 99 : i32
    %dma_start3A_327 = arith.constant 0 : i32
    %dma_start3A_328 = arith.constant 0 : i32
    %dma_start3A_329 = tpu.memref_slice %arg6[%dma_start3A_325, %dma_start3A_327, %dma_start3A_328] : memref<8x64x128xf32, #tpu.memory_space<vmem>> -> memref<1x64x128xf32, #tpu.memory_space<vmem>>
    %dma_start3A_330 = tpu.memref_squeeze %dma_start3A_329 : memref<1x64x128xf32, #tpu.memory_space<vmem>> -> memref<64x128xf32, #tpu.memory_space<vmem>>
    %dma_start3A_331 = arith.constant 0 : i32
    %dma_start3A_332 = tpu.memref_slice %arg4[%dma_start3A_326, %add3A_324, %dma_start3A_331] : memref<100x4096x128xf32, #tpu.memory_space<hbm>> -> memref<1x64x128xf32, #tpu.memory_space<hbm>>
    %dma_start3A_333 = tpu.memref_squeeze %dma_start3A_332 : memref<1x64x128xf32, #tpu.memory_space<hbm>> -> memref<64x128xf32, #tpu.memory_space<hbm>>
    %dma_start3A_334 = arith.constant 0 : i32
    %dma_start3A_335 = tpu.memref_slice %arg4[%dma_start3A_326, %add3A_324, %dma_start3A_334] : memref<100x4096x128xf32, #tpu.memory_space<hbm>> -> memref<1x64x128xf32, #tpu.memory_space<hbm>>
    %dma_start3A_336 = tpu.memref_squeeze %dma_start3A_335 : memref<1x64x128xf32, #tpu.memory_space<hbm>> -> memref<64x128xf32, #tpu.memory_space<hbm>>
    %dma_start3A_337 = arith.constant 0 : i32
    %dma_start3A_338 = arith.constant 0 : i32
    %dma_start3A_339 = tpu.memref_slice %arg6[%dma_start3A_325, %dma_start3A_337, %dma_start3A_338] : memref<8x64x128xf32, #tpu.memory_space<vmem>> -> memref<1x64x128xf32, #tpu.memory_space<vmem>>
    %dma_start3A_340 = tpu.memref_squeeze %dma_start3A_339 : memref<1x64x128xf32, #tpu.memory_space<vmem>> -> memref<64x128xf32, #tpu.memory_space<vmem>>
    tpu.enqueue_dma source(%dma_start3A_340 : memref<64x128xf32, #tpu.memory_space<vmem>>) target(%dma_start3A_336 : memref<64x128xf32, #tpu.memory_space<hbm>>) target_semaphore(%arg22 : memref<!tpu.dma_semaphore, #tpu.memory_space<semaphore_mem>>)
    %dma_wait3A_341 = arith.constant 0 : i32
    %dma_wait3A_342 = arith.constant 0 : i32
    %dma_wait3A_343 = arith.constant 0 : i32
    %dma_wait3A_344 = arith.constant 0 : i32
    %dma_wait3A_345 = tpu.memref_slice %arg6[%dma_wait3A_341, %dma_wait3A_343, %dma_wait3A_344] : memref<8x64x128xf32, #tpu.memory_space<vmem>> -> memref<1x64x128xf32, #tpu.memory_space<vmem>>
    %dma_wait3A_346 = tpu.memref_squeeze %dma_wait3A_345 : memref<1x64x128xf32, #tpu.memory_space<vmem>> -> memref<64x128xf32, #tpu.memory_space<vmem>>
    %dma_wait3A_347 = arith.constant 0 : i32
    %dma_wait3A_348 = tpu.memref_slice %arg4[%dma_wait3A_342, %mul3A_2, %dma_wait3A_347] : memref<100x4096x128xf32, #tpu.memory_space<hbm>> -> memref<1x64x128xf32, #tpu.memory_space<hbm>>
    %dma_wait3A_349 = tpu.memref_squeeze %dma_wait3A_348 : memref<1x64x128xf32, #tpu.memory_space<hbm>> -> memref<64x128xf32, #tpu.memory_space<hbm>>
    %dma_wait3A_350 = arith.constant 0 : i32
    %dma_wait3A_351 = tpu.memref_slice %arg4[%dma_wait3A_342, %mul3A_2, %dma_wait3A_350] : memref<100x4096x128xf32, #tpu.memory_space<hbm>> -> memref<1x64x128xf32, #tpu.memory_space<hbm>>
    %dma_wait3A_352 = tpu.memref_squeeze %dma_wait3A_351 : memref<1x64x128xf32, #tpu.memory_space<hbm>> -> memref<64x128xf32, #tpu.memory_space<hbm>>
    %dma_wait3A_353 = arith.constant 0 : i32
    %dma_wait3A_354 = arith.constant 0 : i32
    %dma_wait3A_355 = tpu.memref_slice %arg6[%dma_wait3A_341, %dma_wait3A_353, %dma_wait3A_354] : memref<8x64x128xf32, #tpu.memory_space<vmem>> -> memref<1x64x128xf32, #tpu.memory_space<vmem>>
    %dma_wait3A_356 = tpu.memref_squeeze %dma_wait3A_355 : memref<1x64x128xf32, #tpu.memory_space<vmem>> -> memref<64x128xf32, #tpu.memory_space<vmem>>
    tpu.wait_dma2 semaphore(%arg15 : memref<!tpu.dma_semaphore, #tpu.memory_space<semaphore_mem>>) src(%dma_wait3A_356 : memref<64x128xf32, #tpu.memory_space<vmem>>) dst(%dma_wait3A_352 : memref<64x128xf32, #tpu.memory_space<hbm>>)
    %dma_wait3A_357 = arith.constant 1 : i32
    %dma_wait3A_358 = arith.constant 0 : i32
    %dma_wait3A_359 = arith.constant 0 : i32
    %dma_wait3A_360 = arith.constant 0 : i32
    %dma_wait3A_361 = tpu.memref_slice %arg6[%dma_wait3A_357, %dma_wait3A_359, %dma_wait3A_360] : memref<8x64x128xf32, #tpu.memory_space<vmem>> -> memref<1x64x128xf32, #tpu.memory_space<vmem>>
    %dma_wait3A_362 = tpu.memref_squeeze %dma_wait3A_361 : memref<1x64x128xf32, #tpu.memory_space<vmem>> -> memref<64x128xf32, #tpu.memory_space<vmem>>
    %dma_wait3A_363 = arith.constant 0 : i32
    %dma_wait3A_364 = tpu.memref_slice %arg4[%dma_wait3A_358, %mul3A_2, %dma_wait3A_363] : memref<100x4096x128xf32, #tpu.memory_space<hbm>> -> memref<1x64x128xf32, #tpu.memory_space<hbm>>
    %dma_wait3A_365 = tpu.memref_squeeze %dma_wait3A_364 : memref<1x64x128xf32, #tpu.memory_space<hbm>> -> memref<64x128xf32, #tpu.memory_space<hbm>>
    %dma_wait3A_366 = arith.constant 0 : i32
    %dma_wait3A_367 = tpu.memref_slice %arg4[%dma_wait3A_358, %mul3A_2, %dma_wait3A_366] : memref<100x4096x128xf32, #tpu.memory_space<hbm>> -> memref<1x64x128xf32, #tpu.memory_space<hbm>>
    %dma_wait3A_368 = tpu.memref_squeeze %dma_wait3A_367 : memref<1x64x128xf32, #tpu.memory_space<hbm>> -> memref<64x128xf32, #tpu.memory_space<hbm>>
    %dma_wait3A_369 = arith.constant 0 : i32
    %dma_wait3A_370 = arith.constant 0 : i32
    %dma_wait3A_371 = tpu.memref_slice %arg6[%dma_wait3A_357, %dma_wait3A_369, %dma_wait3A_370] : memref<8x64x128xf32, #tpu.memory_space<vmem>> -> memref<1x64x128xf32, #tpu.memory_space<vmem>>
    %dma_wait3A_372 = tpu.memref_squeeze %dma_wait3A_371 : memref<1x64x128xf32, #tpu.memory_space<vmem>> -> memref<64x128xf32, #tpu.memory_space<vmem>>
    tpu.wait_dma2 semaphore(%arg16 : memref<!tpu.dma_semaphore, #tpu.memory_space<semaphore_mem>>) src(%dma_wait3A_372 : memref<64x128xf32, #tpu.memory_space<vmem>>) dst(%dma_wait3A_368 : memref<64x128xf32, #tpu.memory_space<hbm>>)
    %dma_wait3A_373 = arith.constant 2 : i32
    %dma_wait3A_374 = arith.constant 0 : i32
    %dma_wait3A_375 = arith.constant 0 : i32
    %dma_wait3A_376 = arith.constant 0 : i32
    %dma_wait3A_377 = tpu.memref_slice %arg6[%dma_wait3A_373, %dma_wait3A_375, %dma_wait3A_376] : memref<8x64x128xf32, #tpu.memory_space<vmem>> -> memref<1x64x128xf32, #tpu.memory_space<vmem>>
    %dma_wait3A_378 = tpu.memref_squeeze %dma_wait3A_377 : memref<1x64x128xf32, #tpu.memory_space<vmem>> -> memref<64x128xf32, #tpu.memory_space<vmem>>
    %dma_wait3A_379 = arith.constant 0 : i32
    %dma_wait3A_380 = tpu.memref_slice %arg4[%dma_wait3A_374, %mul3A_2, %dma_wait3A_379] : memref<100x4096x128xf32, #tpu.memory_space<hbm>> -> memref<1x64x128xf32, #tpu.memory_space<hbm>>
    %dma_wait3A_381 = tpu.memref_squeeze %dma_wait3A_380 : memref<1x64x128xf32, #tpu.memory_space<hbm>> -> memref<64x128xf32, #tpu.memory_space<hbm>>
    %dma_wait3A_382 = arith.constant 0 : i32
    %dma_wait3A_383 = tpu.memref_slice %arg4[%dma_wait3A_374, %mul3A_2, %dma_wait3A_382] : memref<100x4096x128xf32, #tpu.memory_space<hbm>> -> memref<1x64x128xf32, #tpu.memory_space<hbm>>
    %dma_wait3A_384 = tpu.memref_squeeze %dma_wait3A_383 : memref<1x64x128xf32, #tpu.memory_space<hbm>> -> memref<64x128xf32, #tpu.memory_space<hbm>>
    %dma_wait3A_385 = arith.constant 0 : i32
    %dma_wait3A_386 = arith.constant 0 : i32
    %dma_wait3A_387 = tpu.memref_slice %arg6[%dma_wait3A_373, %dma_wait3A_385, %dma_wait3A_386] : memref<8x64x128xf32, #tpu.memory_space<vmem>> -> memref<1x64x128xf32, #tpu.memory_space<vmem>>
    %dma_wait3A_388 = tpu.memref_squeeze %dma_wait3A_387 : memref<1x64x128xf32, #tpu.memory_space<vmem>> -> memref<64x128xf32, #tpu.memory_space<vmem>>
    tpu.wait_dma2 semaphore(%arg17 : memref<!tpu.dma_semaphore, #tpu.memory_space<semaphore_mem>>) src(%dma_wait3A_388 : memref<64x128xf32, #tpu.memory_space<vmem>>) dst(%dma_wait3A_384 : memref<64x128xf32, #tpu.memory_space<hbm>>)
    %dma_wait3A_389 = arith.constant 3 : i32
    %dma_wait3A_390 = arith.constant 0 : i32
    %dma_wait3A_391 = arith.constant 0 : i32
    %dma_wait3A_392 = arith.constant 0 : i32
    %dma_wait3A_393 = tpu.memref_slice %arg6[%dma_wait3A_389, %dma_wait3A_391, %dma_wait3A_392] : memref<8x64x128xf32, #tpu.memory_space<vmem>> -> memref<1x64x128xf32, #tpu.memory_space<vmem>>
    %dma_wait3A_394 = tpu.memref_squeeze %dma_wait3A_393 : memref<1x64x128xf32, #tpu.memory_space<vmem>> -> memref<64x128xf32, #tpu.memory_space<vmem>>
    %dma_wait3A_395 = arith.constant 0 : i32
    %dma_wait3A_396 = tpu.memref_slice %arg4[%dma_wait3A_390, %mul3A_2, %dma_wait3A_395] : memref<100x4096x128xf32, #tpu.memory_space<hbm>> -> memref<1x64x128xf32, #tpu.memory_space<hbm>>
    %dma_wait3A_397 = tpu.memref_squeeze %dma_wait3A_396 : memref<1x64x128xf32, #tpu.memory_space<hbm>> -> memref<64x128xf32, #tpu.memory_space<hbm>>
    %dma_wait3A_398 = arith.constant 0 : i32
    %dma_wait3A_399 = tpu.memref_slice %arg4[%dma_wait3A_390, %mul3A_2, %dma_wait3A_398] : memref<100x4096x128xf32, #tpu.memory_space<hbm>> -> memref<1x64x128xf32, #tpu.memory_space<hbm>>
    %dma_wait3A_400 = tpu.memref_squeeze %dma_wait3A_399 : memref<1x64x128xf32, #tpu.memory_space<hbm>> -> memref<64x128xf32, #tpu.memory_space<hbm>>
    %dma_wait3A_401 = arith.constant 0 : i32
    %dma_wait3A_402 = arith.constant 0 : i32
    %dma_wait3A_403 = tpu.memref_slice %arg6[%dma_wait3A_389, %dma_wait3A_401, %dma_wait3A_402] : memref<8x64x128xf32, #tpu.memory_space<vmem>> -> memref<1x64x128xf32, #tpu.memory_space<vmem>>
    %dma_wait3A_404 = tpu.memref_squeeze %dma_wait3A_403 : memref<1x64x128xf32, #tpu.memory_space<vmem>> -> memref<64x128xf32, #tpu.memory_space<vmem>>
    tpu.wait_dma2 semaphore(%arg18 : memref<!tpu.dma_semaphore, #tpu.memory_space<semaphore_mem>>) src(%dma_wait3A_404 : memref<64x128xf32, #tpu.memory_space<vmem>>) dst(%dma_wait3A_400 : memref<64x128xf32, #tpu.memory_space<hbm>>)
    %dma_wait3A_405 = arith.constant 4 : i32
    %dma_wait3A_406 = arith.constant 0 : i32
    %dma_wait3A_407 = arith.constant 0 : i32
    %dma_wait3A_408 = arith.constant 0 : i32
    %dma_wait3A_409 = tpu.memref_slice %arg6[%dma_wait3A_405, %dma_wait3A_407, %dma_wait3A_408] : memref<8x64x128xf32, #tpu.memory_space<vmem>> -> memref<1x64x128xf32, #tpu.memory_space<vmem>>
    %dma_wait3A_410 = tpu.memref_squeeze %dma_wait3A_409 : memref<1x64x128xf32, #tpu.memory_space<vmem>> -> memref<64x128xf32, #tpu.memory_space<vmem>>
    %dma_wait3A_411 = arith.constant 0 : i32
    %dma_wait3A_412 = tpu.memref_slice %arg4[%dma_wait3A_406, %mul3A_2, %dma_wait3A_411] : memref<100x4096x128xf32, #tpu.memory_space<hbm>> -> memref<1x64x128xf32, #tpu.memory_space<hbm>>
    %dma_wait3A_413 = tpu.memref_squeeze %dma_wait3A_412 : memref<1x64x128xf32, #tpu.memory_space<hbm>> -> memref<64x128xf32, #tpu.memory_space<hbm>>
    %dma_wait3A_414 = arith.constant 0 : i32
    %dma_wait3A_415 = tpu.memref_slice %arg4[%dma_wait3A_406, %mul3A_2, %dma_wait3A_414] : memref<100x4096x128xf32, #tpu.memory_space<hbm>> -> memref<1x64x128xf32, #tpu.memory_space<hbm>>
    %dma_wait3A_416 = tpu.memref_squeeze %dma_wait3A_415 : memref<1x64x128xf32, #tpu.memory_space<hbm>> -> memref<64x128xf32, #tpu.memory_space<hbm>>
    %dma_wait3A_417 = arith.constant 0 : i32
    %dma_wait3A_418 = arith.constant 0 : i32
    %dma_wait3A_419 = tpu.memref_slice %arg6[%dma_wait3A_405, %dma_wait3A_417, %dma_wait3A_418] : memref<8x64x128xf32, #tpu.memory_space<vmem>> -> memref<1x64x128xf32, #tpu.memory_space<vmem>>
    %dma_wait3A_420 = tpu.memref_squeeze %dma_wait3A_419 : memref<1x64x128xf32, #tpu.memory_space<vmem>> -> memref<64x128xf32, #tpu.memory_space<vmem>>
    tpu.wait_dma2 semaphore(%arg19 : memref<!tpu.dma_semaphore, #tpu.memory_space<semaphore_mem>>) src(%dma_wait3A_420 : memref<64x128xf32, #tpu.memory_space<vmem>>) dst(%dma_wait3A_416 : memref<64x128xf32, #tpu.memory_space<hbm>>)
    %dma_wait3A_421 = arith.constant 5 : i32
    %dma_wait3A_422 = arith.constant 0 : i32
    %dma_wait3A_423 = arith.constant 0 : i32
    %dma_wait3A_424 = arith.constant 0 : i32
    %dma_wait3A_425 = tpu.memref_slice %arg6[%dma_wait3A_421, %dma_wait3A_423, %dma_wait3A_424] : memref<8x64x128xf32, #tpu.memory_space<vmem>> -> memref<1x64x128xf32, #tpu.memory_space<vmem>>
    %dma_wait3A_426 = tpu.memref_squeeze %dma_wait3A_425 : memref<1x64x128xf32, #tpu.memory_space<vmem>> -> memref<64x128xf32, #tpu.memory_space<vmem>>
    %dma_wait3A_427 = arith.constant 0 : i32
    %dma_wait3A_428 = tpu.memref_slice %arg4[%dma_wait3A_422, %mul3A_2, %dma_wait3A_427] : memref<100x4096x128xf32, #tpu.memory_space<hbm>> -> memref<1x64x128xf32, #tpu.memory_space<hbm>>
    %dma_wait3A_429 = tpu.memref_squeeze %dma_wait3A_428 : memref<1x64x128xf32, #tpu.memory_space<hbm>> -> memref<64x128xf32, #tpu.memory_space<hbm>>
    %dma_wait3A_430 = arith.constant 0 : i32
    %dma_wait3A_431 = tpu.memref_slice %arg4[%dma_wait3A_422, %mul3A_2, %dma_wait3A_430] : memref<100x4096x128xf32, #tpu.memory_space<hbm>> -> memref<1x64x128xf32, #tpu.memory_space<hbm>>
    %dma_wait3A_432 = tpu.memref_squeeze %dma_wait3A_431 : memref<1x64x128xf32, #tpu.memory_space<hbm>> -> memref<64x128xf32, #tpu.memory_space<hbm>>
    %dma_wait3A_433 = arith.constant 0 : i32
    %dma_wait3A_434 = arith.constant 0 : i32
    %dma_wait3A_435 = tpu.memref_slice %arg6[%dma_wait3A_421, %dma_wait3A_433, %dma_wait3A_434] : memref<8x64x128xf32, #tpu.memory_space<vmem>> -> memref<1x64x128xf32, #tpu.memory_space<vmem>>
    %dma_wait3A_436 = tpu.memref_squeeze %dma_wait3A_435 : memref<1x64x128xf32, #tpu.memory_space<vmem>> -> memref<64x128xf32, #tpu.memory_space<vmem>>
    tpu.wait_dma2 semaphore(%arg20 : memref<!tpu.dma_semaphore, #tpu.memory_space<semaphore_mem>>) src(%dma_wait3A_436 : memref<64x128xf32, #tpu.memory_space<vmem>>) dst(%dma_wait3A_432 : memref<64x128xf32, #tpu.memory_space<hbm>>)
    %dma_wait3A_437 = arith.constant 6 : i32
    %dma_wait3A_438 = arith.constant 0 : i32
    %dma_wait3A_439 = arith.constant 0 : i32
    %dma_wait3A_440 = arith.constant 0 : i32
    %dma_wait3A_441 = tpu.memref_slice %arg6[%dma_wait3A_437, %dma_wait3A_439, %dma_wait3A_440] : memref<8x64x128xf32, #tpu.memory_space<vmem>> -> memref<1x64x128xf32, #tpu.memory_space<vmem>>
    %dma_wait3A_442 = tpu.memref_squeeze %dma_wait3A_441 : memref<1x64x128xf32, #tpu.memory_space<vmem>> -> memref<64x128xf32, #tpu.memory_space<vmem>>
    %dma_wait3A_443 = arith.constant 0 : i32
    %dma_wait3A_444 = tpu.memref_slice %arg4[%dma_wait3A_438, %mul3A_2, %dma_wait3A_443] : memref<100x4096x128xf32, #tpu.memory_space<hbm>> -> memref<1x64x128xf32, #tpu.memory_space<hbm>>
    %dma_wait3A_445 = tpu.memref_squeeze %dma_wait3A_444 : memref<1x64x128xf32, #tpu.memory_space<hbm>> -> memref<64x128xf32, #tpu.memory_space<hbm>>
    %dma_wait3A_446 = arith.constant 0 : i32
    %dma_wait3A_447 = tpu.memref_slice %arg4[%dma_wait3A_438, %mul3A_2, %dma_wait3A_446] : memref<100x4096x128xf32, #tpu.memory_space<hbm>> -> memref<1x64x128xf32, #tpu.memory_space<hbm>>
    %dma_wait3A_448 = tpu.memref_squeeze %dma_wait3A_447 : memref<1x64x128xf32, #tpu.memory_space<hbm>> -> memref<64x128xf32, #tpu.memory_space<hbm>>
    %dma_wait3A_449 = arith.constant 0 : i32
    %dma_wait3A_450 = arith.constant 0 : i32
    %dma_wait3A_451 = tpu.memref_slice %arg6[%dma_wait3A_437, %dma_wait3A_449, %dma_wait3A_450] : memref<8x64x128xf32, #tpu.memory_space<vmem>> -> memref<1x64x128xf32, #tpu.memory_space<vmem>>
    %dma_wait3A_452 = tpu.memref_squeeze %dma_wait3A_451 : memref<1x64x128xf32, #tpu.memory_space<vmem>> -> memref<64x128xf32, #tpu.memory_space<vmem>>
    tpu.wait_dma2 semaphore(%arg21 : memref<!tpu.dma_semaphore, #tpu.memory_space<semaphore_mem>>) src(%dma_wait3A_452 : memref<64x128xf32, #tpu.memory_space<vmem>>) dst(%dma_wait3A_448 : memref<64x128xf32, #tpu.memory_space<hbm>>)
    %dma_wait3A_453 = arith.constant 7 : i32
    %dma_wait3A_454 = arith.constant 0 : i32
    %dma_wait3A_455 = arith.constant 0 : i32
    %dma_wait3A_456 = arith.constant 0 : i32
    %dma_wait3A_457 = tpu.memref_slice %arg6[%dma_wait3A_453, %dma_wait3A_455, %dma_wait3A_456] : memref<8x64x128xf32, #tpu.memory_space<vmem>> -> memref<1x64x128xf32, #tpu.memory_space<vmem>>
    %dma_wait3A_458 = tpu.memref_squeeze %dma_wait3A_457 : memref<1x64x128xf32, #tpu.memory_space<vmem>> -> memref<64x128xf32, #tpu.memory_space<vmem>>
    %dma_wait3A_459 = arith.constant 0 : i32
    %dma_wait3A_460 = tpu.memref_slice %arg4[%dma_wait3A_454, %mul3A_2, %dma_wait3A_459] : memref<100x4096x128xf32, #tpu.memory_space<hbm>> -> memref<1x64x128xf32, #tpu.memory_space<hbm>>
    %dma_wait3A_461 = tpu.memref_squeeze %dma_wait3A_460 : memref<1x64x128xf32, #tpu.memory_space<hbm>> -> memref<64x128xf32, #tpu.memory_space<hbm>>
    %dma_wait3A_462 = arith.constant 0 : i32
    %dma_wait3A_463 = tpu.memref_slice %arg4[%dma_wait3A_454, %mul3A_2, %dma_wait3A_462] : memref<100x4096x128xf32, #tpu.memory_space<hbm>> -> memref<1x64x128xf32, #tpu.memory_space<hbm>>
    %dma_wait3A_464 = tpu.memref_squeeze %dma_wait3A_463 : memref<1x64x128xf32, #tpu.memory_space<hbm>> -> memref<64x128xf32, #tpu.memory_space<hbm>>
    %dma_wait3A_465 = arith.constant 0 : i32
    %dma_wait3A_466 = arith.constant 0 : i32
    %dma_wait3A_467 = tpu.memref_slice %arg6[%dma_wait3A_453, %dma_wait3A_465, %dma_wait3A_466] : memref<8x64x128xf32, #tpu.memory_space<vmem>> -> memref<1x64x128xf32, #tpu.memory_space<vmem>>
    %dma_wait3A_468 = tpu.memref_squeeze %dma_wait3A_467 : memref<1x64x128xf32, #tpu.memory_space<vmem>> -> memref<64x128xf32, #tpu.memory_space<vmem>>
    tpu.wait_dma2 semaphore(%arg22 : memref<!tpu.dma_semaphore, #tpu.memory_space<semaphore_mem>>) src(%dma_wait3A_468 : memref<64x128xf32, #tpu.memory_space<vmem>>) dst(%dma_wait3A_464 : memref<64x128xf32, #tpu.memory_space<hbm>>)
    return
  }
}

</mosaic_0001>

<sc_bundles>
// kernel: kernel.3.cloned.1.call-start
scs
__scs_entry_jumppad:
0x0: {  	(pc) =	sbr.rel $0x88, $3  }
0x1: {  	(tag) =	ssettag $0x0;
	lr =	simm.s32 $0x1  }
0x2: {  	[smem:$0x3F9F] =	sst lr;
	_ =	strace $0xD0000000  }
0x3: {  	_ = 	snop  }
0x4: {  	_ = 	snop  }
0x5: {  	_ = 	snop  }
0x6: {  	_ = 	snop  }
0x7: {  	_ = 	snop  }
__scs_overlays_trampoline_lowered:
0x8: {  	[smem:$0x3FAE] =	sst s0  }
0x9: {  	[smem:$0x3FAF] =	sst s1  }
0xa: {  	[smem:$0x3FB0] =	sst s2  }
0xb: {  	[smem:$0x3FB1] =	sst s3  }
0xc: {  	[smem:$0x3FB2] =	sst s4  }
0xd: {  	[smem:$0x3FB3] =	sst s5  }
0xe: {  	[smem:$0x3FB4] =	sst s6  }
0xf: {  	[smem:$0x3FB5] =	sst s7  }
0x10: {  	[smem:$0x3FB6] =	sst s8  }
0x11: {  	[smem:$0x3FB7] =	sst s9;
	s0 =	simm.s32 @!p0 $0x0  }
0x12: {  	s1 =	sld [smem:$0x3F9D];
	s0 =	simm.s32 @p0 $0x1  }
0x13: {  	[smem:$0x3FB8] =	sst s0;
	s0 =	simm.s32 @!p1 $0x0  }
0x14: {  	s2 =	sld [smem:$0x3F9C];
	s0 =	simm.s32 @p1 $0x1  }
0x15: {  	[smem:$0x3FB9] =	sst s0;
	s0 =	simm.s32 @!p2 $0x0  }
0x16: {  	s3 =	sld [smem:$0x3FDB];
	s0 =	simm.s32 @p2 $0x1  }
0x17: {  	s4 =	simm.s32 $0x1BF5;
	[smem:$0x3FBB] =	sst s0  }
0x18: {  	s0 =	sld [smem:$0x3F9E];
	_ =	swait.ge [sflag:s4], $0x0  }
0x19: {  	s7 =	sld [smem:$0x3F9F]  }
0x1a: {  	s8 =	sadd.s32 $0xFFFFE003, lr  }
0x1b: {  	s9 =	sadd.s32 $0xFFFFFEF7, lr;
	s5 =	simm.s32 $0xFFFFFFFF;
	p2 =	slt.u32 s8, $0xFFFFF086  }
0x1c: {  	p1 =	slt.u32 s9, $0xF7A;
	s5 =	simm.s32 @!p2 $0x0  }
0x1d: {  	s5 =	simm.s32 @p1 $0x1;
	p0 =	seq.s32 s7, s2  }
0x1e: {  	s7 =	smul.u32 @!p0 $0xF7A, s2;
	p2 =	seq.s32 @!p0 s5, $0x0  }
0x1f: {  	s9 =	smul.u32 $0xF7A, s1;
	s8 =	simm.s32 @!p0 $0x1BF5;
	p2 =	por !p2, p0  }
0x20: {  	[sflag:s8] =	ssyncset.s32 @!p0 $0xFFFFF086;
	s6 =	sadd.s32 @!p0 s3, s7;
	s7 =	simm.s32 @!p0 $0x108  }
0x21: {  	s3 =	sadd.s32 s3, s9;
	s6 =	sadd.s32 @!p0 $0x88, s6;
	s7 =	simm.s32 @p2 $0x1082  }
0x22: {  	[simem:s7], [sflag:s8] =	dma.local @!p0 [hbm:s6], $0xF7A  }
0x23: {  	s9 =	sor.u32 $0xD0000000, s2;
	s6 =	simm.s32 $0x108;
	_ =	swait.ge @!p0 [sflag:s8], $0x0  }
0x24: {  	s3 =	sadd.s32 $0x88, s3;
	s6 =	simm.s32 @!p1 $0x1082;
	[sflag:s4] =	ssyncset.s32 $0xFFFFF086  }
0x25: {  	[simem:s6], [sflag:s4] =	dma.local [hbm:s3], $0xF7A  }
0x26: {  	[smem:$0x3F9F] =	sst s1;
	(tag) =	ssettag s2;
	_ =	strace s9  }
0x27: {  	s1 =	sld [smem:$0x3FAF]  }
0x28: {  	s2 =	sld [smem:$0x3FB0]  }
0x29: {  	s4 =	sld [smem:$0x3FB2]  }
0x2a: {  	p0 =	seq.s32 s5, $0x0;
	s5 =	sld [smem:$0x3FB3]  }
0x2b: {  	s6 =	sld [smem:$0x3FB4]  }
0x2c: {  	s7 =	sld [smem:$0x3FB5]  }
0x2d: {  	s3 =	simm.s32 $0x108;
	s8 =	sld [smem:$0x3FB6]  }
0x2e: {  	s3 =	simm.s32 @!p0 $0x1082;
	s9 =	sld [smem:$0x3FB7]  }
0x2f: {  	lr =	sadd.s32 s0, s3;
	s0 =	sld [smem:$0x3FAE]  }
0x30: {  	s3 =	sld [smem:$0x3FB1]  }
0x31: {  	[smem:$0x3FBA] =	sst s10  }
0x32: {  	s10 =	sld [smem:$0x3FB8];
	_ =	sdelay $0x3  }
0x33: {  	p0 =	seq.s32 s10, $0x1;
	s10 =	sld [smem:$0x3FBA];
	_ =	sdelay $0x3  }
0x34: {  	[smem:$0x3FBA] =	sst s10  }
0x35: {  	s10 =	sld [smem:$0x3FB9];
	_ =	sdelay $0x3  }
0x36: {  	p1 =	seq.s32 s10, $0x1;
	s10 =	sld [smem:$0x3FBA];
	_ =	sdelay $0x3  }
0x37: {  	[smem:$0x3FBA] =	sst s10  }
0x38: {  	s10 =	sld [smem:$0x3FBB]  }
0x39: {  	_ = 	snop;
	(pc) =	sbr.ind lr, $3  }
0x3a: {  	_ = 	snop  }
0x3b: {  	_ = 	snop  }
0x3c: {  	p2 =	seq.s32 s10, $0x1;
	s10 =	sld [smem:$0x3FBA]  }
0x3d: {  	_ =	shalt  }
0x3e: {  	_ =	shalt  }
0x3f: {  	_ =	shalt  }
0x40: {  	_ =	shalt  }
0x41: {  	_ =	shalt  }
0x42: {  	_ =	shalt  }
0x43: {  	_ =	shalt  }
0x44: {  	_ =	shalt  }
0x45: {  	_ =	shalt  }
0x46: {  	_ =	shalt  }
0x47: {  	_ =	shalt  }
0x48: {  	_ =	shalt  }
0x49: {  	_ =	shalt  }
0x4a: {  	_ =	shalt  }
0x4b: {  	_ =	shalt  }
0x4c: {  	_ =	shalt  }
0x4d: {  	_ =	shalt  }
0x4e: {  	_ =	shalt  }
0x4f: {  	_ =	shalt  }
0x50: {  	_ =	shalt  }
0x51: {  	_ =	shalt  }
0x52: {  	_ =	shalt  }
0x53: {  	_ =	shalt  }
0x54: {  	_ =	shalt  }
0x55: {  	_ =	shalt  }
0x56: {  	_ =	shalt  }
0x57: {  	_ =	shalt  }
0x58: {  	_ =	shalt  }
0x59: {  	_ =	shalt  }
0x5a: {  	_ =	shalt  }
0x5b: {  	_ =	shalt  }
0x5c: {  	_ =	shalt  }
0x5d: {  	_ =	shalt  }
0x5e: {  	_ =	shalt  }
0x5f: {  	_ =	shalt  }
0x60: {  	_ =	shalt  }
0x61: {  	_ =	shalt  }
0x62: {  	_ =	shalt  }
0x63: {  	_ =	shalt  }
0x64: {  	_ =	shalt  }
0x65: {  	_ =	shalt  }
0x66: {  	_ =	shalt  }
0x67: {  	_ =	shalt  }
0x68: {  	_ =	shalt  }
0x69: {  	_ =	shalt  }
0x6a: {  	_ =	shalt  }
0x6b: {  	_ =	shalt  }
0x6c: {  	_ =	shalt  }
0x6d: {  	_ =	shalt  }
0x6e: {  	_ =	shalt  }
0x6f: {  	_ =	shalt  }
0x70: {  	_ =	shalt  }
0x71: {  	_ =	shalt  }
0x72: {  	_ =	shalt  }
0x73: {  	_ =	shalt  }
0x74: {  	_ =	shalt  }
0x75: {  	_ =	shalt  }
0x76: {  	_ =	shalt  }
0x77: {  	_ =	shalt  }
0x78: {  	_ =	shalt  }
0x79: {  	_ =	shalt  }
0x7a: {  	_ =	shalt  }
0x7b: {  	_ =	shalt  }
0x7c: {  	_ =	shalt  }
0x7d: {  	_ =	shalt  }
0x7e: {  	_ =	shalt  }
0x7f: {  	_ =	shalt  }
0x80: {  	_ =	shalt  }
0x81: {  	_ =	shalt  }
0x82: {  	_ =	shalt  }
0x83: {  	_ =	shalt  }
0x84: {  	_ =	shalt  }
0x85: {  	_ =	shalt  }
0x86: {  	_ =	shalt  }
0x87: {  	_ =	shalt  }
.Lfunc_end0:
.L_simem_size_0:
called_computation_lowered:
.L_overlay_start_0:
0x88: {  	s2 =	sld [smem:$0x3FD9]  }
0x89: {  	s3 =	sld [smem:$0x3FFE];
	_ =	sdelay $0x1  }
0x8a: {  	s1 =	srdreg.scid  }
0x8b: {  	s0 =	sand.u32 $0x1, s1  }
0x8c: {  	s18 =	sshll.u32 s0, $0xA;
	s2 =	sadd.s32 s3, s2  }
0x8d: {  	s2 =	sadd.s32 s2, s18  }
0x8e: {  	[smem:$0x3FC6] =	sst s2  }
0x8f: {  	_ = 	snop  }
0x90: {  	s2 =	sld [smem:$0x3FC9]  }
0x91: {  	s19 =	sld [smem:$0x3FC8]  }
0x92: {  	s4 =	sld [smem:$0x3FD0];
	(tm) =	ssettm $0x1  }
0x93: {  	s5 =	sld [smem:$0x3FFB];
	_ =	sdelay $0x3  }
0x94: {  	_ =	strace s5  }
0x95: {  	s5 =	sld [smem:$0x3FFC];
	_ =	sdelay $0x3  }
0x96: {  	_ =	strace s5  }
0x97: {  	s5 =	sld [smem:$0x3FFD];
	_ =	sdelay $0x3  }
0x98: {  	_ =	strace s5  }
0x99: {  	_ =	strace $0x8FFFFFFF  }
0x9a: {  	s20 =	sld [smem:$0x3FDB];
	_ =	sdelay $0x1  }
0x9b: {  	s6 =	simm.s32 $_scs_section_size  }
0x9c: {  	s7 =	simm.s32 $_size__tile_overlayer_lowered;
	s8 =	simm.s32 $_tile_overlayer_lowered  }
0x9d: {  	s23 =	simm.s32 $0x1BFF;
	s22 =	sshll.u32 s8, $0x1;
	s5 =	sadd.s32 s6, s20  }
0x9e: {  	s9 =	simm.s32 $0x0;
	s21 =	sshll.u32 s7, $0x1;
	s7 =	sadd.s32 s22, s5  }
0x9f: {  	[timem:s9], [sflag:s23] =	dma.local [hbm:s7], s21  }
0xa0: {  	_ =	swait.ge [sflag:s23], s21  }
0xa1: {  	s6 =	ssub.s32 $0x0, s21;
	[sflag:s23] =	ssyncset.done $0x0  }
0xa2: {  	[sflag:s23] =	ssyncadd.s32 s6;
	_ =	sdelay $0x1  }
0xa3: {  	s24 =	simm.s32 $0x1B8B  }
0xa4: {  	_ =	swait.ge [sflag:s24], $0x1  }
0xa5: {  	[sflag:s24] =	ssyncset.done $0x0  }
0xa6: {  	s25 =	simm.s32 $0x1B8E;
	[sflag:s24] =	ssyncadd.s32 $0xFFFFFFFF  }
0xa7: {  	s26 =	simm.s32 $execute0_lowered;
	[smem:$0x3FD2] =	sst s25  }
0xa8: {  	s6 =	sshll.u32 s26, $0x1;
	_ =	strace $0x80000046;
	[dreg:$0x1] =	wrdreg $0xFFFFFFFF  }
0xa9: {  	s28 =	simm.s32 $_size_execute0_lowered;
	s5 =	sadd.s32 s5, s6;
	[dreg:$0x0] =	wrdreg $0x0  }
0xaa: {  	s6 =	sshll.u32 s28, $0x1;
	[dreg:$0x2] =	wrdreg s5  }
0xab: {  	[dreg:$0x3] =	wrdreg s6  }
0xac: {  	[dreg:$0x4] =	wrdreg $0xC0  }
0xad: {  	_ =	task [dreg:s9], $0x5FFFF  }
0xae: {  	[dreg:$0x1] =	wrdreg $0xFFFFFFFF  }
0xaf: {  	[dreg:$0x0] =	wrdreg $0x60  }
0xb0: {  	[dreg:$0x2] =	wrdreg s2  }
0xb1: {  	[dreg:$0x3] =	wrdreg s19  }
0xb2: {  	[dreg:$0x4] =	wrdreg s4  }
0xb3: {  	[dreg:$0x5] =	wrdreg $0x9  }
0xb4: {  	_ =	task.clear_ibuf [dreg:s9], $0x6FFFF;
	_ =	strace $0x90000046  }
0xb5: {  	s29 =	simm.s32 $0x9;
	_ =	strace $0x80000048  }
0xb6: {  	_ =	swait.ge [sflag:s29], $0x1  }
0xb7: {  	[sflag:s29] =	ssyncadd.s32 $0xFFFFFFFF  }
0xb8: {  	_ =	strace $0x90000048  }
0xb9: {  	_ =	sfence  }
0xba: {  	s30 =	sld [smem:$0x0];
	_ =	sdelay $0x2  }
0xbb: {  	s31 =	sshll.u32 s1, $0xD;
	s1 =	sshrl.u32 s1, $0x2  }
0xbc: {  	s3 =	sand.u32 $0x4000, s31;
	s1 =	sadd.s32 s1, s30  }
0xbd: {  	s0 =	sor.u32 s3, s0;
	s1 =	sshll.u32 s1, $0x11  }
0xbe: {  	s0 =	sor.u32 s1, s0  }
0xbf: {  	s0 =	sadd.s32 $0x8F2B, s0  }
0xc0: {  	[sflag:s0] =	ssyncadd.remote.s32 $0x1  }
0xc1: {  	_ =	sfence.sel $0xFFFF  }
0xc2: {  	[dreg:$0x0] =	wrdreg $0xFFFFFFFF;
	(pc) =	sbr.abs _section_cstart, $3  }
0xc3: {  	[dreg:$0x1] =	wrdreg $0xFFFFFFFF  }
0xc4: {  	_ =	task.clear_ibuf [dreg:s9], $0x2FFFF;
	_ =	strace $0x9FFFFFFF  }
0xc5: {  	(tm) =	ssettm $0x7FFFFFFF  }
tec
execute0_lowered:
.L_overlay_start_1:
0x0: {  	(tag) =	ssettag $0x1  }
0x1: {  	s0 =	rddreg [dreg:$0x0]  }
0x2: {  	s1 =	rddreg [dreg:$0x1]  }
0x3: {  	s26 =	rddreg [dreg:$0x2];
	s2 =	srdreg.scid  }
0x4: {  	s4 =	simm.s32 $0x0;
	s7 =	stileid.u32;
	s28 =	simm.s32 $0x2  }
0x5: {  	s30 =	simm.s32 $0x3400;
	s29 =	simm.s32 $0x9400;
	s31 =	simm.s32 $0xB400  }
0x6: {  	s2 =	sand.u32 $0x1, s2;
	[smem:$0x7FF] =	sst s4;
	s3 =	sshll.u32 s7, $0x8  }
0x7: {  	s17 =	sshll.u32 s7, $0xF;
	s21 =	sshll.u32 s7, $0xC;
	s5 =	sshll.u32 s2, $0x7  }
0x8: {  	_ =	strace $0x80000047;
	s6 =	ssub.s32 $0x2, s2;
	s18 =	sshll.u32 s2, $0xE  }
0x9: {  	s2 =	sshll.u32 s2, $0xB;
	s3 =	sor.u32 s5, s3;
	s9 =	sshrl.u32 s6, $0x1  }
0xa: {  	s23 =	sor.u32 s2, s21;
	s2 =	simm.s32 $0x5400;
	s21 =	simm.s32 $0x9400  }
0xb: {  	s8 =	sadd.s32 s0, s3;
	s10 =	sshll.u32 s3, $0x4;
	s5 =	ssub.s32 s6, s9  }
0xc: {  	s13 =	sshll.u32 s3, $0x7;
	s3 =	sor.u32 s18, s17;
	[dreg:$0x6] =	wrdreg s23  }
0xd: {  	s18 =	simm.s32 $0x7400;
	[dreg:$0x7] =	wrdreg s8;
	s11 =	sadd.s32 $0xC000, s8  }
0xe: {  	s23 =	simm.s32 $0x3;
	s0 =	sor.u32 $0x2000, s13;
	[dreg:$0x8] =	wrdreg s11  }
0xf: {  	s6 =	simm.s32 $0x4;
	s12 =	sadd.s32 s26, s10;
	[dreg:$0x4] =	wrdreg s0  }
0x10: {  	s20 =	sor.u32 $0x180000, s3;
	s25 =	smax.u32 s5, $0x1;
	[dreg:$0x9] =	wrdreg s12  }
0x11: {  	s8 =	simm.s32 $0x5;
	s14 =	sadd.s32 $0x400, s12;
	[dreg:$0x11] =	wrdreg s25  }
0x12: {  	s10 =	simm.s32 $0x8;
	s15 =	sadd.s32 $0x10000, s12;
	[dreg:$0xa] =	wrdreg s14  }
0x13: {  	s5 =	simm.s32 $0xD;
	s16 =	sadd.s32 $0x10400, s12;
	[dreg:$0xb] =	wrdreg s15  }
0x14: {  	s13 =	simm.s32 $0xF;
	s9 =	sadd.s32 $0x20000, s12;
	[dreg:$0xc] =	wrdreg s16  }
0x15: {  	s19 =	sadd.s32 $0x620400, s12;
	s0 =	sshrl.u32 s20, $0x3;
	[dreg:$0xd] =	wrdreg s9  }
0x16: {  	s22 =	sadd.s32 $0x630000, s12;
	s24 =	sadd.s32 $0x630400, s12;
	[dreg:$0xe] =	wrdreg s19  }
0x17: {  	s20 =	simm.s32 $0x40;
	s11 =	simm.s32 $0xC;
	[dreg:$0xf] =	wrdreg s22  }
0x18: {  	s12 =	simm.s32 $0xE;
	s25 =	simm.s32 $0xF400;
	[dreg:$0x5] =	wrdreg s0  }
0x19: {  	[dreg:$0x10] =	wrdreg s24;
	s19 =	simm.s32 $0x3400;
	s16 =	simm.s32 $0x1  }
0x1a: {  	s9 =	simm.s32 $0xB;
	s14 =	simm.s32 $0x10;
	s0 =	simm.s32 $0x0  }
.LBB2_1:
0x1b: {  	[dreg:$0x12] =	wrdreg s0  }
0x1c: {  	s3 =	rddreg [dreg:$0x7];
	s7 =	simm.s32 $0x400;
	s15 =	simm.s32 $0x8000  }
0x1d: {  	[tilespmem:s4], [sflag:$0x11] =	stream.strided.gather [hbm4b:s3+s7], $0x3000, s15, s7, $0x38;
	[tilespmem:$0x13400] =	vst v63  }
0x1e: {  	s24 =	rddreg [dreg:$0x8];
	s0 =	simm.s32 $0x3000;
	s7 =	simm.s32 $0x11  }
0x1f: {  	[tilespmem:s0], [sflag:$0x11] =	stream.linear.gather [hbm4b:s24+s4], $0x200, $0x38;
	[tilespmem:$0x13400] =	vst v63  }
0x20: {  	_ =	swait.ge [sflag:s7], $0x3200  }
0x21: {  	[sflag:s7] =	ssyncset.done $0x0  }
0x22: {  	[sflag:s7] =	ssyncadd.s32 $0xFFFFCE00  }
0x23: {  	[tilespmem:s19], [sflag:$0x1] =	stream.indirect.gather [hbm4b:s1+s20], $0x80, s4, s20, $0xb8;
	[tilespmem:$0x13400] =	vst v63  }
0x24: {  	_ = 	snop  }
0x25: {  	[tilespmem:s2], [sflag:$0x2] =	stream.indirect.gather [hbm4b:s1+s20], $0x80, s20, s20, $0xb8;
	[tilespmem:$0x13400] =	vst v63  }
0x26: {  	s15 =	simm.s32 $0x80  }
0x27: {  	[tilespmem:s18], [sflag:$0x3] =	stream.indirect.gather [hbm4b:s1+s20], $0x80, s15, s20, $0xb8;
	[tilespmem:$0x13400] =	vst v63  }
0x28: {  	s17 =	simm.s32 $0xC0  }
0x29: {  	[tilespmem:s21], [sflag:$0x4] =	stream.indirect.gather [hbm4b:s1+s20], $0x80, s17, s20, $0xb8;
	[tilespmem:$0x13400] =	vst v63  }
0x2a: {  	_ =	swait.ge [sflag:s16], $0x2000  }
0x2b: {  	[sflag:s16] =	ssyncset.done $0x0  }
0x2c: {  	s22 =	rddreg [dreg:$0x9];
	[sflag:s16] =	ssyncadd.s32 $0xFFFFE000  }
0x2d: {  	[hbm4b:s22+s4] =	stream.linear.scatter [tilespmem:s19], [sflag:$0x9], $0x2000, $0x38;
	[tilespmem:$0x13400] =	vst v63  }
0x2e: {  	s24 =	simm.s32 $0x100;
	s15 =	simm.s32 $0xB400  }
0x2f: {  	[tilespmem:s15], [sflag:$0x5] =	stream.indirect.gather [hbm4b:s1+s20], $0x80, s24, s20, $0xb8;
	[tilespmem:$0x13400] =	vst v63  }
0x30: {  	_ =	swait.ge [sflag:s28], $0x2000  }
0x31: {  	[sflag:s28] =	ssyncset.done $0x0  }
0x32: {  	s0 =	rddreg [dreg:$0xa];
	[sflag:s28] =	ssyncadd.s32 $0xFFFFE000  }
0x33: {  	[hbm4b:s0+s4] =	stream.linear.scatter [tilespmem:s2], [sflag:$0xA], $0x2000, $0x38;
	[tilespmem:$0x13400] =	vst v63  }
0x34: {  	s7 =	simm.s32 $0x140;
	s22 =	simm.s32 $0xD400  }
0x35: {  	[tilespmem:s22], [sflag:$0x6] =	stream.indirect.gather [hbm4b:s1+s20], $0x80, s7, s20, $0xb8;
	[tilespmem:$0x13400] =	vst v63  }
0x36: {  	_ =	swait.ge [sflag:s23], $0x2000  }
0x37: {  	[sflag:s23] =	ssyncset.done $0x0  }
0x38: {  	s17 =	rddreg [dreg:$0xb];
	[sflag:s23] =	ssyncadd.s32 $0xFFFFE000  }
0x39: {  	[hbm4b:s17+s4] =	stream.linear.scatter [tilespmem:s18], [sflag:$0xB], $0x2000, $0x38;
	[tilespmem:$0x13400] =	vst v63  }
0x3a: {  	s24 =	simm.s32 $0x180;
	s17 =	simm.s32 $0xF400  }
0x3b: {  	[tilespmem:s17], [sflag:$0x7] =	stream.indirect.gather [hbm4b:s1+s20], $0x80, s24, s20, $0xb8;
	[tilespmem:$0x13400] =	vst v63  }
0x3c: {  	_ =	swait.ge [sflag:s6], $0x2000  }
0x3d: {  	[sflag:s6] =	ssyncset.done $0x0  }
0x3e: {  	s0 =	rddreg [dreg:$0xc];
	[sflag:s6] =	ssyncadd.s32 $0xFFFFE000  }
0x3f: {  	[hbm4b:s0+s4] =	stream.linear.scatter [tilespmem:s21], [sflag:$0xC], $0x2000, $0x38;
	[tilespmem:$0x13400] =	vst v63  }
0x40: {  	s7 =	simm.s32 $0x1C0;
	s24 =	simm.s32 $0x11400  }
0x41: {  	[tilespmem:s24], [sflag:$0x8] =	stream.indirect.gather [hbm4b:s1+s20], $0x80, s7, s20, $0xb8;
	[tilespmem:$0x13400] =	vst v63  }
0x42: {  	_ =	swait.ge [sflag:s8], $0x2000  }
0x43: {  	[sflag:s8] =	ssyncset.done $0x0  }
0x44: {  	s7 =	simm.s32 $0x9;
	s0 =	rddreg [dreg:$0xd];
	[sflag:s8] =	ssyncadd.s32 $0xFFFFE000  }
0x45: {  	[hbm4b:s0+s4] =	stream.linear.scatter [tilespmem:s15], [sflag:$0xD], $0x2000, $0x38;
	[tilespmem:$0x13400] =	vst v63  }
0x46: {  	_ =	swait.ge [sflag:s7], $0x2000  }
0x47: {  	[sflag:s7] =	ssyncset.done $0x0  }
0x48: {  	s0 =	simm.s32 $0x200;
	[sflag:s7] =	ssyncadd.s32 $0xFFFFE000  }
0x49: {  	[tilespmem:s19], [sflag:$0x1] =	stream.indirect.gather [hbm4b:s1+s20], $0x80, s0, s20, $0xb8;
	[tilespmem:$0x13400] =	vst v63  }
0x4a: {  	s0 =	simm.s32 $0x6  }
0x4b: {  	_ =	swait.ge [sflag:s0], $0x2000  }
0x4c: {  	s7 =	simm.s32 $0x0;
	s3 =	rddreg [dreg:$0x4]  }
0x4d: {  	s3 =	sor.u32 s3, s7  }
0x4e: {  	s7 =	sadd.s32 $0x100000, s3  }
0x4f: {  	[sflag:s0] =	ssyncset.done $0x0;
	s7 =	sshrl.u32 s7, $0x3  }
0x50: {  	[sflag:s0] =	ssyncadd.s32 $0xFFFFE000;
	s7 =	sadd.s32 s26, s7  }
0x51: {  	[hbm4b:s7+s4] =	stream.linear.scatter [tilespmem:s22], [sflag:$0xE], $0x2000, $0x38;
	[tilespmem:$0x13400] =	vst v63  }
0x52: {  	s7 =	simm.s32 $0xA  }
0x53: {  	_ =	swait.ge [sflag:s7], $0x2000  }
0x54: {  	[sflag:s7] =	ssyncset.done $0x0  }
0x55: {  	s0 =	simm.s32 $0x240;
	[sflag:s7] =	ssyncadd.s32 $0xFFFFE000  }
0x56: {  	[tilespmem:s2], [sflag:$0x2] =	stream.indirect.gather [hbm4b:s1+s20], $0x80, s0, s20, $0xb8;
	[tilespmem:$0x13400] =	vst v63  }
0x57: {  	s0 =	simm.s32 $0x7  }
0x58: {  	_ =	swait.ge [sflag:s0], $0x2000  }
0x59: {  	s7 =	rddreg [dreg:$0x5];
	[sflag:s0] =	ssyncset.done $0x0  }
0x5a: {  	[sflag:s0] =	ssyncadd.s32 $0xFFFFE000;
	s7 =	sadd.s32 s26, s7  }
0x5b: {  	[hbm4b:s7+s4] =	stream.linear.scatter [tilespmem:s17], [sflag:$0xF], $0x2000, $0x38;
	[tilespmem:$0x13400] =	vst v63  }
0x5c: {  	_ =	swait.ge [sflag:s9], $0x2000  }
0x5d: {  	[sflag:s9] =	ssyncset.done $0x0  }
0x5e: {  	s0 =	simm.s32 $0x280;
	[sflag:s9] =	ssyncadd.s32 $0xFFFFE000  }
0x5f: {  	[tilespmem:s18], [sflag:$0x3] =	stream.indirect.gather [hbm4b:s1+s20], $0x80, s0, s20, $0xb8;
	[tilespmem:$0x13400] =	vst v63  }
0x60: {  	s3 =	sadd.s32 $0x180000, s3;
	_ =	swait.ge [sflag:s10], $0x2000  }
0x61: {  	s3 =	sshrl.u32 s3, $0x3;
	[sflag:s10] =	ssyncset.done $0x0  }
0x62: {  	s3 =	sadd.s32 s26, s3;
	[sflag:s10] =	ssyncadd.s32 $0xFFFFE000  }
0x63: {  	[hbm4b:s3+s4] =	stream.linear.scatter [tilespmem:s24], [sflag:$0x10], $0x2000, $0x38;
	[tilespmem:$0x13400] =	vst v63  }
0x64: {  	_ =	swait.ge [sflag:s11], $0x2000  }
0x65: {  	[sflag:s11] =	ssyncset.done $0x0  }
0x66: {  	s0 =	simm.s32 $0x2C0;
	[sflag:s11] =	ssyncadd.s32 $0xFFFFE000  }
0x67: {  	[tilespmem:s21], [sflag:$0x4] =	stream.indirect.gather [hbm4b:s1+s20], $0x80, s0, s20, $0xb8;
	[tilespmem:$0x13400] =	vst v63  }
0x68: {  	_ =	swait.ge [sflag:s16], $0x2000  }
0x69: {  	s7 =	rddreg [dreg:$0x6]  }
0x6a: {  	[sflag:s16] =	ssyncset.done $0x0;
	s3 =	sadd.s32 s26, s7  }
0x6b: {  	[sflag:s16] =	ssyncadd.s32 $0xFFFFE000;
	s16 =	sadd.s32 $0x40000, s3  }
0x6c: {  	[hbm4b:s16+s4] =	stream.linear.scatter [tilespmem:s19], [sflag:$0x9], $0x2000, $0x38;
	[tilespmem:$0x13400] =	vst v63  }
0x6d: {  	_ =	swait.ge [sflag:s5], $0x2000  }
0x6e: {  	[sflag:s5] =	ssyncset.done $0x0  }
0x6f: {  	s0 =	simm.s32 $0x300;
	[sflag:s5] =	ssyncadd.s32 $0xFFFFE000  }
0x70: {  	[tilespmem:s15], [sflag:$0x5] =	stream.indirect.gather [hbm4b:s1+s20], $0x80, s0, s20, $0xb8;
	[tilespmem:$0x13400] =	vst v63  }
0x71: {  	_ =	swait.ge [sflag:s28], $0x2000  }
0x72: {  	[sflag:s28] =	ssyncset.done $0x0  }
0x73: {  	s15 =	sadd.s32 $0x40400, s3;
	[sflag:s28] =	ssyncadd.s32 $0xFFFFE000  }
0x74: {  	[hbm4b:s15+s4] =	stream.linear.scatter [tilespmem:s2], [sflag:$0xA], $0x2000, $0x38;
	[tilespmem:$0x13400] =	vst v63  }
0x75: {  	_ =	swait.ge [sflag:s12], $0x2000  }
0x76: {  	[sflag:s12] =	ssyncset.done $0x0  }
0x77: {  	s16 =	simm.s32 $0x340;
	[sflag:s12] =	ssyncadd.s32 $0xFFFFE000  }
0x78: {  	[tilespmem:s22], [sflag:$0x6] =	stream.indirect.gather [hbm4b:s1+s20], $0x80, s16, s20, $0xb8;
	[tilespmem:$0x13400] =	vst v63  }
0x79: {  	_ =	swait.ge [sflag:s23], $0x2000  }
0x7a: {  	[sflag:s23] =	ssyncset.done $0x0  }
0x7b: {  	s19 =	sadd.s32 $0x50000, s3;
	[sflag:s23] =	ssyncadd.s32 $0xFFFFE000  }
0x7c: {  	[hbm4b:s19+s4] =	stream.linear.scatter [tilespmem:s18], [sflag:$0xB], $0x2000, $0x38;
	[tilespmem:$0x13400] =	vst v63  }
0x7d: {  	_ =	swait.ge [sflag:s13], $0x2000  }
0x7e: {  	[sflag:s13] =	ssyncset.done $0x0  }
0x7f: {  	s22 =	simm.s32 $0x380;
	[sflag:s13] =	ssyncadd.s32 $0xFFFFE000  }
0x80: {  	[tilespmem:s17], [sflag:$0x7] =	stream.indirect.gather [hbm4b:s1+s20], $0x80, s22, s20, $0xb8;
	[tilespmem:$0x13400] =	vst v63  }
0x81: {  	_ =	swait.ge [sflag:s6], $0x2000  }
0x82: {  	[sflag:s6] =	ssyncset.done $0x0  }
0x83: {  	s23 =	sadd.s32 $0x50400, s3;
	[sflag:s6] =	ssyncadd.s32 $0xFFFFE000  }
0x84: {  	[hbm4b:s23+s4] =	stream.linear.scatter [tilespmem:s21], [sflag:$0xC], $0x2000, $0x38;
	[tilespmem:$0x13400] =	vst v63  }
0x85: {  	_ =	swait.ge [sflag:s14], $0x2000  }
0x86: {  	s7 =	simm.s32 $0x800;
	s28 =	simm.s32 $0x3C0;
	[sflag:s14] =	ssyncset.done $0x0  }
0x87: {  	s15 =	simm.s32 $0x8;
	s2 =	simm.s32 $0x5400;
	[sflag:s14] =	ssyncadd.s32 $0xFFFFE000  }
0x88: {  	[tilespmem:s24], [sflag:$0x8] =	stream.indirect.gather [hbm4b:s1+s20], $0x80, s28, s20, $0xb8;
	[tilespmem:$0x13400] =	vst v63  }
0x89: {  	s16 =	simm.s32 $0x1;
	s19 =	simm.s32 $0x4;
	_ =	swait.ge [sflag:s8], $0x2000  }
0x8a: {  	s18 =	simm.s32 $0x7400;
	s6 =	simm.s32 $0x4;
	[sflag:s8] =	ssyncset.done $0x0  }
0x8b: {  	s21 =	sadd.s32 $0x60000, s3;
	s3 =	sadd.s32 $0x40000, s26;
	[sflag:s8] =	ssyncadd.s32 $0xFFFFE000  }
.LBB2_2:
0x8c: {  	s28 =	simm.s32 $0xB400;
	s0 =	simm.s32 $0x9  }
0x8d: {  	[hbm4b:s21+s4] =	stream.linear.scatter [tilespmem:s28], [sflag:$0xD], $0x2000, $0x38;
	[tilespmem:$0x13400] =	vst v63  }
0x8e: {  	s8 =	smov.u32 s7;
	_ =	swait.ge [sflag:s0], $0x2000  }
0x8f: {  	s17 =	simm.s32 $0x6;
	s21 =	sshra.s32 s8, $0x2;
	[sflag:s0] =	ssyncset.done $0x0  }
0x90: {  	s23 =	sshrl.u32 s15, $0x1F;
	s22 =	sadd.s32 $0x200, s21;
	[sflag:s0] =	ssyncadd.s32 $0xFFFFE000  }
0x91: {  	[tilespmem:s30], [sflag:$0x1] =	stream.indirect.gather [hbm4b:s1+s20], $0x80, s22, s20, $0xb8;
	[tilespmem:$0x13400] =	vst v63  }
0x92: {  	s22 =	sadd.s32 s23, s19;
	_ =	swait.ge [sflag:s17], $0x2000  }
0x93: {  	s22 =	sshll.u32 s22, $0x13;
	s24 =	rddreg [dreg:$0x4]  }
0x94: {  	s22 =	sor.u32 s24, s22  }
0x95: {  	s24 =	sadd.s32 $0x100000, s22  }
0x96: {  	[sflag:s17] =	ssyncset.done $0x0;
	s24 =	sshrl.u32 s24, $0x3  }
0x97: {  	s23 =	simm.s32 $0xD400;
	[sflag:s17] =	ssyncadd.s32 $0xFFFFE000;
	s24 =	sadd.s32 s26, s24  }
0x98: {  	[hbm4b:s24+s4] =	stream.linear.scatter [tilespmem:s23], [sflag:$0xE], $0x2000, $0x38;
	[tilespmem:$0x13400] =	vst v63  }
0x99: {  	s24 =	simm.s32 $0xA  }
0x9a: {  	_ =	swait.ge [sflag:s24], $0x2000  }
0x9b: {  	[sflag:s24] =	ssyncset.done $0x0  }
0x9c: {  	s8 =	simm.s32 $0x7;
	s0 =	sadd.s32 $0x240, s21;
	[sflag:s24] =	ssyncadd.s32 $0xFFFFE000  }
0x9d: {  	[tilespmem:s2], [sflag:$0x2] =	stream.indirect.gather [hbm4b:s1+s20], $0x80, s0, s20, $0xb8;
	[tilespmem:$0x13400] =	vst v63  }
0x9e: {  	_ =	swait.ge [sflag:s8], $0x2000  }
0x9f: {  	s17 =	rddreg [dreg:$0x5];
	[sflag:s8] =	ssyncset.done $0x0  }
0xa0: {  	[sflag:s8] =	ssyncadd.s32 $0xFFFFE000;
	s24 =	sadd.s32 s3, s17;
	s17 =	simm.s32 $0xF400  }
0xa1: {  	[hbm4b:s24+s4] =	stream.linear.scatter [tilespmem:s17], [sflag:$0xF], $0x2000, $0x38;
	[tilespmem:$0x13400] =	vst v63  }
0xa2: {  	_ =	swait.ge [sflag:s9], $0x2000  }
0xa3: {  	[sflag:s9] =	ssyncset.done $0x0  }
0xa4: {  	s8 =	sadd.s32 $0x280, s21;
	[sflag:s9] =	ssyncadd.s32 $0xFFFFE000  }
0xa5: {  	[tilespmem:s18], [sflag:$0x3] =	stream.indirect.gather [hbm4b:s1+s20], $0x80, s8, s20, $0xb8;
	[tilespmem:$0x13400] =	vst v63  }
0xa6: {  	s22 =	sadd.s32 $0x180000, s22;
	_ =	swait.ge [sflag:s10], $0x2000  }
0xa7: {  	s22 =	sshrl.u32 s22, $0x3;
	[sflag:s10] =	ssyncset.done $0x0  }
0xa8: {  	s22 =	sadd.s32 s26, s22;
	s8 =	simm.s32 $0x11400;
	[sflag:s10] =	ssyncadd.s32 $0xFFFFE000  }
0xa9: {  	[hbm4b:s22+s4] =	stream.linear.scatter [tilespmem:s8], [sflag:$0x10], $0x2000, $0x38;
	[tilespmem:$0x13400] =	vst v63  }
0xaa: {  	_ =	swait.ge [sflag:s11], $0x2000  }
0xab: {  	[sflag:s11] =	ssyncset.done $0x0  }
0xac: {  	s0 =	sadd.s32 $0x2C0, s21;
	[sflag:s11] =	ssyncadd.s32 $0xFFFFE000  }
0xad: {  	[tilespmem:s29], [sflag:$0x4] =	stream.indirect.gather [hbm4b:s1+s20], $0x80, s0, s20, $0xb8;
	[tilespmem:$0x13400] =	vst v63  }
0xae: {  	_ =	swait.ge [sflag:s16], $0x2000  }
0xaf: {  	s24 =	rddreg [dreg:$0x6]  }
0xb0: {  	[sflag:s16] =	ssyncset.done $0x0;
	s22 =	sadd.s32 s3, s24  }
0xb1: {  	[sflag:s16] =	ssyncadd.s32 $0xFFFFE000;
	s0 =	sadd.s32 $0x40000, s22  }
0xb2: {  	[hbm4b:s0+s4] =	stream.linear.scatter [tilespmem:s30], [sflag:$0x9], $0x2000, $0x38;
	[tilespmem:$0x13400] =	vst v63  }
0xb3: {  	_ =	swait.ge [sflag:s5], $0x2000  }
0xb4: {  	[sflag:s5] =	ssyncset.done $0x0  }
0xb5: {  	s0 =	sadd.s32 $0x300, s21;
	[sflag:s5] =	ssyncadd.s32 $0xFFFFE000  }
0xb6: {  	[tilespmem:s28], [sflag:$0x5] =	stream.indirect.gather [hbm4b:s1+s20], $0x80, s0, s20, $0xb8;
	[tilespmem:$0x13400] =	vst v63  }
0xb7: {  	s28 =	simm.s32 $0x2  }
0xb8: {  	_ =	swait.ge [sflag:s28], $0x2000  }
0xb9: {  	[sflag:s28] =	ssyncset.done $0x0  }
0xba: {  	s0 =	sadd.s32 $0x40400, s22;
	[sflag:s28] =	ssyncadd.s32 $0xFFFFE000  }
0xbb: {  	[hbm4b:s0+s4] =	stream.linear.scatter [tilespmem:s2], [sflag:$0xA], $0x2000, $0x38;
	[tilespmem:$0x13400] =	vst v63  }
0xbc: {  	_ =	swait.ge [sflag:s12], $0x2000  }
0xbd: {  	[sflag:s12] =	ssyncset.done $0x0  }
0xbe: {  	s24 =	sadd.s32 $0x340, s21;
	[sflag:s12] =	ssyncadd.s32 $0xFFFFE000  }
0xbf: {  	[tilespmem:s23], [sflag:$0x6] =	stream.indirect.gather [hbm4b:s1+s20], $0x80, s24, s20, $0xb8;
	[tilespmem:$0x13400] =	vst v63  }
0xc0: {  	s23 =	simm.s32 $0x3  }
0xc1: {  	_ =	swait.ge [sflag:s23], $0x2000  }
0xc2: {  	[sflag:s23] =	ssyncset.done $0x0  }
0xc3: {  	s24 =	sadd.s32 $0x50000, s22;
	[sflag:s23] =	ssyncadd.s32 $0xFFFFE000  }
0xc4: {  	[hbm4b:s24+s4] =	stream.linear.scatter [tilespmem:s18], [sflag:$0xB], $0x2000, $0x38;
	[tilespmem:$0x13400] =	vst v63  }
0xc5: {  	_ =	swait.ge [sflag:s13], $0x2000  }
0xc6: {  	[sflag:s13] =	ssyncset.done $0x0  }
0xc7: {  	s24 =	sadd.s32 $0x380, s21;
	[sflag:s13] =	ssyncadd.s32 $0xFFFFE000  }
0xc8: {  	[tilespmem:s17], [sflag:$0x7] =	stream.indirect.gather [hbm4b:s1+s20], $0x80, s24, s20, $0xb8;
	[tilespmem:$0x13400] =	vst v63  }
0xc9: {  	_ =	swait.ge [sflag:s6], $0x2000  }
0xca: {  	[sflag:s6] =	ssyncset.done $0x0  }
0xcb: {  	s17 =	sadd.s32 $0x50400, s22;
	[sflag:s6] =	ssyncadd.s32 $0xFFFFE000  }
0xcc: {  	[hbm4b:s17+s4] =	stream.linear.scatter [tilespmem:s29], [sflag:$0xC], $0x2000, $0x38;
	[tilespmem:$0x13400] =	vst v63  }
0xcd: {  	_ =	swait.ge [sflag:s14], $0x2000  }
0xce: {  	[sflag:s14] =	ssyncset.done $0x0  }
0xcf: {  	p0 =	sne.s32 s7, $0xB800;
	s21 =	sadd.s32 $0x3C0, s21;
	[sflag:s14] =	ssyncadd.s32 $0xFFFFE000  }
0xd0: {  	[tilespmem:s8], [sflag:$0x8] =	stream.indirect.gather [hbm4b:s1+s20], $0x80, s21, s20, $0xb8;
	[tilespmem:$0x13400] =	vst v63  }
.Ltmp0:
0xd1: {  	_ = 	snop;
	(pc) =	sbr.rel @p0 .LBB2_2-.Ltmp0, $4  }
0xd2: {  	s7 =	sadd.s32 $0x800, s7;
	s8 =	simm.s32 $0x5  }
0xd3: {  	s15 =	sadd.s32 $0x8, s15;
	s19 =	sadd.s32 $0x4, s19;
	_ =	swait.ge [sflag:s8], $0x2000  }
0xd4: {  	s3 =	sadd.s32 $0x40000, s3;
	s0 =	simm.s32 $0xD400;
	[sflag:s8] =	ssyncset.done $0x0  }
0xd5: {  	s17 =	simm.s32 $0x11400;
	s21 =	sadd.s32 $0x60000, s22;
	[sflag:s8] =	ssyncadd.s32 $0xFFFFE000  }
0xd6: {  	[hbm4b:s21+s4] =	stream.linear.scatter [tilespmem:s31], [sflag:$0xD], $0x2000, $0x38;
	[tilespmem:$0x13400] =	vst v63  }
0xd7: {  	s2 =	simm.s32 $0x6  }
0xd8: {  	_ =	swait.ge [sflag:s2], $0x2000  }
0xd9: {  	[sflag:s2] =	ssyncset.done $0x0  }
0xda: {  	s15 =	simm.s32 $0x7;
	s3 =	rddreg [dreg:$0xe];
	[sflag:s2] =	ssyncadd.s32 $0xFFFFE000  }
0xdb: {  	[hbm4b:s3+s4] =	stream.linear.scatter [tilespmem:s0], [sflag:$0xE], $0x2000, $0x38;
	[tilespmem:$0x13400] =	vst v63  }
0xdc: {  	_ =	swait.ge [sflag:s15], $0x2000  }
0xdd: {  	[sflag:s15] =	ssyncset.done $0x0  }
0xde: {  	s16 =	rddreg [dreg:$0xf];
	[sflag:s15] =	ssyncadd.s32 $0xFFFFE000  }
0xdf: {  	[hbm4b:s16+s4] =	stream.linear.scatter [tilespmem:s25], [sflag:$0xF], $0x2000, $0x38;
	[tilespmem:$0x13400] =	vst v63  }
0xe0: {  	_ =	swait.ge [sflag:s10], $0x2000  }
0xe1: {  	[sflag:s10] =	ssyncset.done $0x0  }
0xe2: {  	s19 =	simm.s32 $0x9;
	s18 =	rddreg [dreg:$0x10];
	[sflag:s10] =	ssyncadd.s32 $0xFFFFE000  }
0xe3: {  	[hbm4b:s18+s4] =	stream.linear.scatter [tilespmem:s17], [sflag:$0x10], $0x2000, $0x38;
	[tilespmem:$0x13400] =	vst v63  }
0xe4: {  	_ =	swait.ge [sflag:s19], $0x2000  }
0xe5: {  	[sflag:s19] =	ssyncset.done $0x0  }
0xe6: {  	s21 =	simm.s32 $0xA;
	[sflag:s19] =	ssyncadd.s32 $0xFFFFE000  }
0xe7: {  	_ =	swait.ge [sflag:s21], $0x2000  }
0xe8: {  	[sflag:s21] =	ssyncset.done $0x0  }
0xe9: {  	[sflag:s21] =	ssyncadd.s32 $0xFFFFE000  }
0xea: {  	_ =	swait.ge [sflag:s9], $0x2000  }
0xeb: {  	[sflag:s9] =	ssyncset.done $0x0  }
0xec: {  	[sflag:s9] =	ssyncadd.s32 $0xFFFFE000  }
0xed: {  	_ =	swait.ge [sflag:s11], $0x2000  }
0xee: {  	[sflag:s11] =	ssyncset.done $0x0  }
0xef: {  	[sflag:s11] =	ssyncadd.s32 $0xFFFFE000  }
0xf0: {  	_ =	swait.ge [sflag:s5], $0x2000  }
0xf1: {  	[sflag:s5] =	ssyncset.done $0x0  }
0xf2: {  	[sflag:s5] =	ssyncadd.s32 $0xFFFFE000  }
0xf3: {  	_ =	swait.ge [sflag:s12], $0x2000  }
0xf4: {  	[sflag:s12] =	ssyncset.done $0x0  }
0xf5: {  	[sflag:s12] =	ssyncadd.s32 $0xFFFFE000  }
0xf6: {  	_ =	swait.ge [sflag:s13], $0x2000  }
0xf7: {  	[sflag:s13] =	ssyncset.done $0x0  }
0xf8: {  	[sflag:s13] =	ssyncadd.s32 $0xFFFFE000  }
0xf9: {  	_ =	swait.ge [sflag:s14], $0x2000  }
0xfa: {  	s22 =	rddreg [dreg:$0x12]  }
0xfb: {  	s24 =	rddreg [dreg:$0x11];
	s0 =	sadd.s32 $0x1, s22  }
0xfc: {  	p0 =	sne.s32 s0, s24  }
.Ltmp1:
0xfd: {  	_ = 	snop;
	(pc) =	sbr.rel @p0 .LBB2_1-.Ltmp1, $4  }
0xfe: {  	_ = 	snop  }
0xff: {  	s6 =	simm.s32 $0x4;
	s2 =	simm.s32 $0x5400  }
0x100: {  	s16 =	simm.s32 $0x1;
	s18 =	simm.s32 $0x7400;
	[sflag:s14] =	ssyncset.done $0x0  }
0x101: {  	s19 =	simm.s32 $0x3400;
	s21 =	simm.s32 $0x9400;
	[sflag:s14] =	ssyncadd.s32 $0xFFFFE000  }
0x102: {  	_ =	sfence.sel $0x180000  }
0x103: {  	[bflag:$0x0] =	sbarrier.arrive $0xFFFF  }
0x104: {  	_ =	strace $0x90000047  }
0x105: {  	s0 =	stileid.u32;
	[bflag:$0x2] =	sbarrier.arrive $0xFFFF  }
0x106: {  	p0 =	sne.s32 s0, $0x0;
	s0 =	rddreg [dreg:$0x3]  }
0x107: {  	s0 =	sadd.s32 @!p0 $0x100000, s0  }
0x108: {  	[sflag:s0] =	ssyncadd.tile.s32 @!p0 $0x1;
	_ =	shalt  }
.Lfunc_end2:
_tile_overlayer_lowered:
.L_overlay_start_2:
0x109: {  	(tag) =	ssettag $0x2  }
0x10a: {  	s0 =	rddreg [dreg:$0x0];
	s2 =	stileid.u32  }
0x10b: {  	s1 =	rddreg [dreg:$0x1];
	p0 =	sne.s32 s2, $0x0  }
0x10c: {  	s3 =	rddreg [dreg:$0x2];
	[bflag:$0x3] =	sbarrier.arrive $0xFFFF;
	s2 =	simm.s32 @!p0 $0x1C11  }
0x10d: {  	[timem:s3], [sflag:s2] =	dma.local @!p0 [hbm:s0], s1  }
0x10e: {  	s0 =	simm.s32 @!p0 $0x11  }
0x10f: {  	_ =	swait.ge @!p0 [sflag:s0], s1  }
0x110: {  	s1 =	ssub.s32 @!p0 $0x0, s1;
	[sflag:s0] =	ssyncset.done @!p0 $0x0  }
0x111: {  	[sflag:s0] =	ssyncadd.s32 @!p0 s1  }
0x112: {  	[bflag:$0x3] =	sbarrier.arrive $0xFFFF  }
0x113: {  	_ =	shalt  }

</sc_bundles>
